<compile_context>
chip_gen: v7x
topology: tpu7x:2x2x1
jax: 0.10.2.dev20260603
libtpu: 0.0.44.dev20260713+nightly
codegen_flags: <defaults>
</compile_context>

<pallas_src>
import functools

import jax
import jax.numpy as jnp
from jax import lax
from jax.experimental import pallas as pl
from jax.experimental.pallas import tpu as pltpu
from jax.experimental.pallas import tpu_sc as plsc

N, E, D, H = 10000, 320000, 128, 256


_CHUNK = 80
_NCHUNKS = E // _CHUNK
_NW = 32
_JMAX = (_NCHUNKS + _NW - 1) // _NW
_RPT = 624
_TAIL = N - 16 * _RPT


def _make_sc_aggregate():
    mesh = plsc.VectorSubcoreMesh(core_axis_name="c", subcore_axis_name="s")

    @functools.partial(
        pl.kernel,
        mesh=mesh,
        out_type=jax.ShapeDtypeStruct((2 * N, D), jnp.float32),
        scratch_types=[
            pltpu.VMEM_SHARED((N, D), jnp.float32),
            pltpu.VMEM((_CHUNK,), jnp.int32),
            pltpu.VMEM((_CHUNK,), jnp.int32),
            pltpu.VMEM((_CHUNK, D), jnp.float32),
            pltpu.VMEM((_CHUNK, D), jnp.float32),
            pltpu.VMEM((_CHUNK,), jnp.int32),
            pltpu.VMEM((_CHUNK,), jnp.int32),
            pltpu.VMEM((_CHUNK, D), jnp.float32),
            pltpu.VMEM((_CHUNK, D), jnp.float32),
            pltpu.SemaphoreType.DMA,
            pltpu.SemaphoreType.DMA,
            pltpu.SemaphoreType.DMA,
            pltpu.SemaphoreType.DMA,
            pltpu.SemaphoreType.DMA,
            pltpu.SemaphoreType.DMA,
            pltpu.SemaphoreType.DMA,
            pltpu.SemaphoreType.DMA,
        ],
    )
    def sc_aggregate(x_hbm, src_hbm, dst_hbm, ea_hbm, out_hbm,
                     accum, src_v, dst_v, ea_v, g_v,
                     src_w, dst_w, ea_w, g_w,
                     sem_g, sem_e, sem_g2, sem_e2,
                     sem_i, sem_j, sem_i2, sem_j2):
        cid = lax.axis_index("c")
        sid = lax.axis_index("s")
        wid = sid * 2 + cid

        zvec = jnp.zeros((16,), jnp.float32)

        def _zrow(r, carry):
            for k in range(D // 16):
                ea_v[r, pl.ds(k * 16, 16)] = zvec
            return carry

        lax.fori_loop(0, _CHUNK, _zrow, 0)
        zbase = sid * _RPT
        for b in range(_RPT // _CHUNK):
            pltpu.sync_copy(ea_v, accum.at[pl.ds(zbase + b * _CHUNK, _CHUNK)])
        rem = _RPT % _CHUNK
        if rem:
            pltpu.sync_copy(
                ea_v.at[pl.ds(0, rem)],
                accum.at[pl.ds(zbase + (_RPT // _CHUNK) * _CHUNK, rem)])

        @pl.when(sid == 15)
        def _():
            pltpu.sync_copy(ea_v.at[pl.ds(0, _TAIL)],
                            accum.at[pl.ds(16 * _RPT, _TAIL)])

        plsc.subcore_barrier()

        def _issue(sv, dv, ev, gv, se, sg, si, sj, j):
            chunk = j * _NW + wid

            @pl.when(chunk < _NCHUNKS)
            def _():
                base = chunk * _CHUNK
                pltpu.async_copy(src_hbm.at[pl.ds(base, _CHUNK)], sv, si)
                pltpu.async_copy(dst_hbm.at[pl.ds(base, _CHUNK)], dv, sj)
                pltpu.async_copy(ea_hbm.at[pl.ds(base, _CHUNK)], ev, se)
                pltpu.make_async_copy(
                    src_hbm.at[pl.ds(0, _CHUNK)], sv, si).wait()
                pltpu.async_copy(x_hbm.at[sv], gv, sg)

        def _finish(sv, dv, ev, gv, se, sg, si, sj, j):
            chunk = j * _NW + wid

            @pl.when(chunk < _NCHUNKS)
            def _():
                pltpu.make_async_copy(
                    dst_hbm.at[pl.ds(0, _CHUNK)], dv, sj).wait()
                pltpu.make_async_copy(
                    ea_hbm.at[pl.ds(0, _CHUNK)], ev, se).wait()
                pltpu.make_async_copy(
                    x_hbm.at[pl.ds(0, _CHUNK)], gv, sg).wait()
                pltpu.async_copy(ev, accum.at[dv], se, add=True)
                pltpu.sync_copy(gv, accum.at[dv], add=True)
                pltpu.make_async_copy(
                    ea_hbm.at[pl.ds(0, _CHUNK)], ev, se).wait()

        buf0 = (src_v, dst_v, ea_v, g_v, sem_e, sem_g, sem_i, sem_j)
        buf1 = (src_w, dst_w, ea_w, g_w, sem_e2, sem_g2, sem_i2, sem_j2)

        _issue(*buf0, 0)

        def _pair_body(t, carry):
            j0 = t * 2
            _issue(*buf1, j0 + 1)
            _finish(*buf0, j0)
            _issue(*buf0, j0 + 2)
            _finish(*buf1, j0 + 1)
            return carry

        lax.fori_loop(0, (_JMAX + 1) // 2, _pair_body, 0)
        plsc.subcore_barrier()

        obase = cid * N + sid * _RPT
        pltpu.sync_copy(accum.at[pl.ds(sid * _RPT, _RPT)],
                        out_hbm.at[pl.ds(obase, _RPT)])

        @pl.when(sid == 15)
        def _():
            pltpu.sync_copy(accum.at[pl.ds(16 * _RPT, _TAIL)],
                            out_hbm.at[pl.ds(cid * N + 16 * _RPT, _TAIL)])

    return sc_aggregate


_sc_aggregate = _make_sc_aggregate()


_BLK = 1000


def _mlp_body(p_ref, x_ref, w1_ref, b1_ref, w2_ref, b2_ref, eps_ref, o_ref):
    aggr = p_ref[0] + p_ref[1]
    h = jnp.dot(aggr, w1_ref[...], preferred_element_type=jnp.float32)
    h = jnp.maximum(h + b1_ref[...], 0.0)
    o = jnp.dot(h, w2_ref[...], preferred_element_type=jnp.float32)
    o_ref[...] = o + b2_ref[...] + (1.0 + eps_ref[0, 0]) * x_ref[...]


def _mlp(partial2, x, W1, b1, W2, b2, eps):
    grid = (N // _BLK,)
    return pl.pallas_call(
        _mlp_body,
        grid=grid,
        in_specs=[
            pl.BlockSpec((2, _BLK, D), lambda i: (0, i, 0)),
            pl.BlockSpec((_BLK, D), lambda i: (i, 0)),
            pl.BlockSpec((D, H), lambda i: (0, 0)),
            pl.BlockSpec((1, H), lambda i: (0, 0)),
            pl.BlockSpec((H, D), lambda i: (0, 0)),
            pl.BlockSpec((1, D), lambda i: (0, 0)),
            pl.BlockSpec((1, 1), lambda i: (0, 0)),
        ],
        out_specs=pl.BlockSpec((_BLK, D), lambda i: (i, 0)),
        out_shape=jax.ShapeDtypeStruct((N, D), jnp.float32),
    )(partial2, x, W1, b1, W2, b2, eps)



def kernel(x, edge_index, edge_attr, W1, b1, W2, b2, eps):
    src = edge_index[0]
    dst = edge_index[1]
    partial = _sc_aggregate(x, src, dst, edge_attr)
    partial2 = partial.reshape(2, N, D)
    return _mlp(partial2, x, W1, b1.reshape(1, H), W2, b2.reshape(1, D),
                eps.reshape(1, 1))

# --- scband reference (transcript-rebuilt; emitter-appended) ---
"""Pipeline reference for scband-custom-layer-55027120996497 (READ-ONLY COPY).

The authoritative reference and input builder live on the scoring server;
editing this copy changes nothing except your own understanding.
"""

import jax, jax.numpy as jnp
import numpy as np

N, E, D, H = 10000, 320000, 128, 256

def setup_inputs(seed: int = 0) -> dict:
    key = jax.random.key(seed)
    ks = jax.random.split(key, 8)
    x = jax.random.normal(ks[0], (N, D), dtype=jnp.float32)
    edge_index = jax.random.randint(ks[1], (2, E), 0, N, dtype=jnp.int32)
    edge_attr = jax.random.normal(ks[2], (E, D), dtype=jnp.float32)
    # GIN MLP params: Linear(D, 2D) -> ReLU -> Linear(2D, D)
    W1 = jax.random.normal(ks[3], (D, H), dtype=jnp.float32) * (1.0 / np.sqrt(D))
    b1 = jnp.zeros((H,), dtype=jnp.float32)
    W2 = jax.random.normal(ks[4], (H, D), dtype=jnp.float32) * (1.0 / np.sqrt(H))
    b2 = jnp.zeros((D,), dtype=jnp.float32)
    eps = jnp.zeros((1,), dtype=jnp.float32)
    return {"x": x, "edge_index": edge_index, "edge_attr": edge_attr,
            "W1": W1, "b1": b1, "W2": W2, "b2": b2, "eps": eps}

def reference(x, edge_index, edge_attr, W1, b1, W2, b2, eps):
    # DGL update_all with message m = src_h + edge_attr, reduce = sum over incoming edges
    src = edge_index[0]
    dst = edge_index[1]
    m = jnp.take(x, src, axis=0) + edge_attr            # gather (SparseCore)
    aggr = jax.ops.segment_sum(m, dst, num_segments=x.shape[0])  # scatter-add
    h = jnp.maximum(aggr @ W1 + b1, 0.0)
    mlp_out = h @ W2 + b2
    out = (1.0 + eps) * x + mlp_out
    return out

if __name__ == "__main__":
    import jax
    _d = setup_inputs()
    print(jax.jit(kernel)(*tuple(_d.values())))

</pallas_src>

<mosaic_0001>
#map = affine_map<(d0, d1) -> (0, 0)>
#map1 = affine_map<(d0, d1) -> (0)>
module attributes {stable_mosaic.version = 14 : i64} {
  func.func @sc_aggregate(%arg0: i32, %arg1: i32, %arg2: memref<10000x128xf32, #tpu.memory_space<hbm>>, %arg3: memref<320000xi32, #tpu.memory_space<hbm>>, %arg4: memref<320000xi32, #tpu.memory_space<hbm>>, %arg5: memref<320000x128xf32, #tpu.memory_space<hbm>>, %arg6: memref<20000x128xf32, #tpu.memory_space<hbm>>, %arg7: memref<10000x128xf32, #tpu.memory_space<vmem_shared>>, %arg8: memref<80xi32, #tpu.memory_space<vmem>>, %arg9: memref<80xi32, #tpu.memory_space<vmem>>, %arg10: memref<80x128xf32, #tpu.memory_space<vmem>>, %arg11: memref<80x128xf32, #tpu.memory_space<vmem>>, %arg12: memref<80xi32, #tpu.memory_space<vmem>>, %arg13: memref<80xi32, #tpu.memory_space<vmem>>, %arg14: memref<80x128xf32, #tpu.memory_space<vmem>>, %arg15: memref<80x128xf32, #tpu.memory_space<vmem>>, %arg16: memref<!tpu.dma_semaphore, #tpu.memory_space<semaphore_mem>>, %arg17: memref<!tpu.dma_semaphore, #tpu.memory_space<semaphore_mem>>, %arg18: memref<!tpu.dma_semaphore, #tpu.memory_space<semaphore_mem>>, %arg19: memref<!tpu.dma_semaphore, #tpu.memory_space<semaphore_mem>>, %arg20: memref<!tpu.dma_semaphore, #tpu.memory_space<semaphore_mem>>, %arg21: memref<!tpu.dma_semaphore, #tpu.memory_space<semaphore_mem>>, %arg22: memref<!tpu.dma_semaphore, #tpu.memory_space<semaphore_mem>>, %arg23: memref<!tpu.dma_semaphore, #tpu.memory_space<semaphore_mem>>) attributes {dimension_semantics = [#tpu.dimension_semantics<core_parallel>, #tpu.dimension_semantics<subcore_parallel>], iteration_bounds = array<i64: 2, 16>, scalar_prefetch = 0 : i64, scratch_operands = 17 : i64, tpu.core_type = #tpu.core_type<sc_vector_subcore>, window_params = [{transform_indices = #map}, {transform_indices = #map1}, {transform_indices = #map1}, {transform_indices = #map}, {transform_indices = #map}]} {
    %mul3A = arith.constant 2 : i32
    %mul3A_0 = arith.muli %arg1, %mul3A : i32
    %add3A = arith.addi %mul3A_0, %arg0 : i32
    %broadcast_in_dim3A = arith.constant 0.000000e+00 : f32
    %broadcast_in_dim3A_1 = vector.broadcast %broadcast_in_dim3A : f32 to vector<16xf32>
    %scan3A = arith.constant 0 : i32
    %scan3A_2 = arith.constant 0 : i32
    %scan3A_3 = arith.constant 80 : i32
    %scan3A_4 = arith.addi %scan3A_2, %scan3A_3 : i32
    %scan3A_5 = arith.constant 1 : i32
    scf.for %scan3A_52 = %scan3A_2 to %scan3A_4 step %scan3A_5  : i32 {
      %swap3A = arith.index_cast %scan3A_52 : i32 to index
      %swap3A_53 = arith.constant 0 : index
      %swap3A_54 = tpu.vector_load %arg10[%swap3A, %swap3A_53] {strides = array<i32>} : memref<80x128xf32, #tpu.memory_space<vmem>>, vector<1x16xf32>,
      %swap3A_55 = vector.shape_cast %swap3A_54 : vector<1x16xf32> to vector<16xf32>
      %swap3A_56 = vector.shape_cast %broadcast_in_dim3A_1 : vector<16xf32> to vector<1x16xf32>
      tpu.vector_store %arg10[%swap3A, %swap3A_53], %swap3A_56 {strides = array<i32>} : memref<80x128xf32, #tpu.memory_space<vmem>>, vector<1x16xf32>,
      %swap3A_57 = arith.index_cast %scan3A_52 : i32 to index
      %swap3A_58 = arith.constant 16 : index
      %swap3A_59 = tpu.vector_load %arg10[%swap3A_57, %swap3A_58] {strides = array<i32>} : memref<80x128xf32, #tpu.memory_space<vmem>>, vector<1x16xf32>,
      %swap3A_60 = vector.shape_cast %swap3A_59 : vector<1x16xf32> to vector<16xf32>
      %swap3A_61 = vector.shape_cast %broadcast_in_dim3A_1 : vector<16xf32> to vector<1x16xf32>
      tpu.vector_store %arg10[%swap3A_57, %swap3A_58], %swap3A_61 {strides = array<i32>} : memref<80x128xf32, #tpu.memory_space<vmem>>, vector<1x16xf32>,
      %swap3A_62 = arith.index_cast %scan3A_52 : i32 to index
      %swap3A_63 = arith.constant 32 : index
      %swap3A_64 = tpu.vector_load %arg10[%swap3A_62, %swap3A_63] {strides = array<i32>} : memref<80x128xf32, #tpu.memory_space<vmem>>, vector<1x16xf32>,
      %swap3A_65 = vector.shape_cast %swap3A_64 : vector<1x16xf32> to vector<16xf32>
      %swap3A_66 = vector.shape_cast %broadcast_in_dim3A_1 : vector<16xf32> to vector<1x16xf32>
      tpu.vector_store %arg10[%swap3A_62, %swap3A_63], %swap3A_66 {strides = array<i32>} : memref<80x128xf32, #tpu.memory_space<vmem>>, vector<1x16xf32>,
      %swap3A_67 = arith.index_cast %scan3A_52 : i32 to index
      %swap3A_68 = arith.constant 48 : index
      %swap3A_69 = tpu.vector_load %arg10[%swap3A_67, %swap3A_68] {strides = array<i32>} : memref<80x128xf32, #tpu.memory_space<vmem>>, vector<1x16xf32>,
      %swap3A_70 = vector.shape_cast %swap3A_69 : vector<1x16xf32> to vector<16xf32>
      %swap3A_71 = vector.shape_cast %broadcast_in_dim3A_1 : vector<16xf32> to vector<1x16xf32>
      tpu.vector_store %arg10[%swap3A_67, %swap3A_68], %swap3A_71 {strides = array<i32>} : memref<80x128xf32, #tpu.memory_space<vmem>>, vector<1x16xf32>,
      %swap3A_72 = arith.index_cast %scan3A_52 : i32 to index
      %swap3A_73 = arith.constant 64 : index
      %swap3A_74 = tpu.vector_load %arg10[%swap3A_72, %swap3A_73] {strides = array<i32>} : memref<80x128xf32, #tpu.memory_space<vmem>>, vector<1x16xf32>,
      %swap3A_75 = vector.shape_cast %swap3A_74 : vector<1x16xf32> to vector<16xf32>
      %swap3A_76 = vector.shape_cast %broadcast_in_dim3A_1 : vector<16xf32> to vector<1x16xf32>
      tpu.vector_store %arg10[%swap3A_72, %swap3A_73], %swap3A_76 {strides = array<i32>} : memref<80x128xf32, #tpu.memory_space<vmem>>, vector<1x16xf32>,
      %swap3A_77 = arith.index_cast %scan3A_52 : i32 to index
      %swap3A_78 = arith.constant 80 : index
      %swap3A_79 = tpu.vector_load %arg10[%swap3A_77, %swap3A_78] {strides = array<i32>} : memref<80x128xf32, #tpu.memory_space<vmem>>, vector<1x16xf32>,
      %swap3A_80 = vector.shape_cast %swap3A_79 : vector<1x16xf32> to vector<16xf32>
      %swap3A_81 = vector.shape_cast %broadcast_in_dim3A_1 : vector<16xf32> to vector<1x16xf32>
      tpu.vector_store %arg10[%swap3A_77, %swap3A_78], %swap3A_81 {strides = array<i32>} : memref<80x128xf32, #tpu.memory_space<vmem>>, vector<1x16xf32>,
      %swap3A_82 = arith.index_cast %scan3A_52 : i32 to index
      %swap3A_83 = arith.constant 96 : index
      %swap3A_84 = tpu.vector_load %arg10[%swap3A_82, %swap3A_83] {strides = array<i32>} : memref<80x128xf32, #tpu.memory_space<vmem>>, vector<1x16xf32>,
      %swap3A_85 = vector.shape_cast %swap3A_84 : vector<1x16xf32> to vector<16xf32>
      %swap3A_86 = vector.shape_cast %broadcast_in_dim3A_1 : vector<16xf32> to vector<1x16xf32>
      tpu.vector_store %arg10[%swap3A_82, %swap3A_83], %swap3A_86 {strides = array<i32>} : memref<80x128xf32, #tpu.memory_space<vmem>>, vector<1x16xf32>,
      %swap3A_87 = arith.index_cast %scan3A_52 : i32 to index
      %swap3A_88 = arith.constant 112 : index
      %swap3A_89 = tpu.vector_load %arg10[%swap3A_87, %swap3A_88] {strides = array<i32>} : memref<80x128xf32, #tpu.memory_space<vmem>>, vector<1x16xf32>,
      %swap3A_90 = vector.shape_cast %swap3A_89 : vector<1x16xf32> to vector<16xf32>
      %swap3A_91 = vector.shape_cast %broadcast_in_dim3A_1 : vector<16xf32> to vector<1x16xf32>
      tpu.vector_store %arg10[%swap3A_87, %swap3A_88], %swap3A_91 {strides = array<i32>} : memref<80x128xf32, #tpu.memory_space<vmem>>, vector<1x16xf32>,
    }
    %scan3A_6 = arith.constant 80 : i32
    %mul3A_7 = arith.constant 624 : i32
    %mul3A_8 = arith.muli %arg1, %mul3A_7 : i32
    %add3A_9 = arith.constant 0 : i32
    %add3A_10 = arith.addi %mul3A_8, %add3A_9 : i32
    "tpu.region"() ({
      %run_scoped3A = tpu.sem_alloc : memref<!tpu.dma_semaphore, #tpu.memory_space<semaphore_mem>>
      %dma_start3A = arith.constant 0 : i32
      %dma_start3A_52 = tpu.memref_slice %arg7[%add3A_10, %dma_start3A] : memref<10000x128xf32, #tpu.memory_space<vmem_shared>> -> memref<80x128xf32, #tpu.memory_space<vmem_shared>>
      %dma_start3A_53 = arith.constant 0 : i32
      %dma_start3A_54 = tpu.memref_slice %arg7[%add3A_10, %dma_start3A_53] : memref<10000x128xf32, #tpu.memory_space<vmem_shared>> -> memref<80x128xf32, #tpu.memory_space<vmem_shared>>
      tpu.enqueue_dma source(%arg10 : memref<80x128xf32, #tpu.memory_space<vmem>>) target(%dma_start3A_54 : memref<80x128xf32, #tpu.memory_space<vmem_shared>>) target_semaphore(%run_scoped3A : memref<!tpu.dma_semaphore, #tpu.memory_space<semaphore_mem>>)
      %dma_wait3A = arith.constant 0 : i32
      %dma_wait3A_55 = tpu.memref_slice %arg7[%add3A_10, %dma_wait3A] : memref<10000x128xf32, #tpu.memory_space<vmem_shared>> -> memref<80x128xf32, #tpu.memory_space<vmem_shared>>
      %dma_wait3A_56 = arith.constant 0 : i32
      %dma_wait3A_57 = tpu.memref_slice %arg7[%add3A_10, %dma_wait3A_56] : memref<10000x128xf32, #tpu.memory_space<vmem_shared>> -> memref<80x128xf32, #tpu.memory_space<vmem_shared>>
      tpu.wait_dma2 semaphore(%run_scoped3A : memref<!tpu.dma_semaphore, #tpu.memory_space<semaphore_mem>>) src(%arg10 : memref<80x128xf32, #tpu.memory_space<vmem>>) dst(%dma_wait3A_57 : memref<80x128xf32, #tpu.memory_space<vmem_shared>>)
      tpu.yield
    }) : () -> ()
    %add3A_11 = arith.constant 80 : i32
    %add3A_12 = arith.addi %mul3A_8, %add3A_11 : i32
    "tpu.region"() ({
      %run_scoped3A = tpu.sem_alloc : memref<!tpu.dma_semaphore, #tpu.memory_space<semaphore_mem>>
      %dma_start3A = arith.constant 0 : i32
      %dma_start3A_52 = tpu.memref_slice %arg7[%add3A_12, %dma_start3A] : memref<10000x128xf32, #tpu.memory_space<vmem_shared>> -> memref<80x128xf32, #tpu.memory_space<vmem_shared>>
      %dma_start3A_53 = arith.constant 0 : i32
      %dma_start3A_54 = tpu.memref_slice %arg7[%add3A_12, %dma_start3A_53] : memref<10000x128xf32, #tpu.memory_space<vmem_shared>> -> memref<80x128xf32, #tpu.memory_space<vmem_shared>>
      tpu.enqueue_dma source(%arg10 : memref<80x128xf32, #tpu.memory_space<vmem>>) target(%dma_start3A_54 : memref<80x128xf32, #tpu.memory_space<vmem_shared>>) target_semaphore(%run_scoped3A : memref<!tpu.dma_semaphore, #tpu.memory_space<semaphore_mem>>)
      %dma_wait3A = arith.constant 0 : i32
      %dma_wait3A_55 = tpu.memref_slice %arg7[%add3A_12, %dma_wait3A] : memref<10000x128xf32, #tpu.memory_space<vmem_shared>> -> memref<80x128xf32, #tpu.memory_space<vmem_shared>>
      %dma_wait3A_56 = arith.constant 0 : i32
      %dma_wait3A_57 = tpu.memref_slice %arg7[%add3A_12, %dma_wait3A_56] : memref<10000x128xf32, #tpu.memory_space<vmem_shared>> -> memref<80x128xf32, #tpu.memory_space<vmem_shared>>
      tpu.wait_dma2 semaphore(%run_scoped3A : memref<!tpu.dma_semaphore, #tpu.memory_space<semaphore_mem>>) src(%arg10 : memref<80x128xf32, #tpu.memory_space<vmem>>) dst(%dma_wait3A_57 : memref<80x128xf32, #tpu.memory_space<vmem_shared>>)
      tpu.yield
    }) : () -> ()
    %add3A_13 = arith.constant 160 : i32
    %add3A_14 = arith.addi %mul3A_8, %add3A_13 : i32
    "tpu.region"() ({
      %run_scoped3A = tpu.sem_alloc : memref<!tpu.dma_semaphore, #tpu.memory_space<semaphore_mem>>
      %dma_start3A = arith.constant 0 : i32
      %dma_start3A_52 = tpu.memref_slice %arg7[%add3A_14, %dma_start3A] : memref<10000x128xf32, #tpu.memory_space<vmem_shared>> -> memref<80x128xf32, #tpu.memory_space<vmem_shared>>
      %dma_start3A_53 = arith.constant 0 : i32
      %dma_start3A_54 = tpu.memref_slice %arg7[%add3A_14, %dma_start3A_53] : memref<10000x128xf32, #tpu.memory_space<vmem_shared>> -> memref<80x128xf32, #tpu.memory_space<vmem_shared>>
      tpu.enqueue_dma source(%arg10 : memref<80x128xf32, #tpu.memory_space<vmem>>) target(%dma_start3A_54 : memref<80x128xf32, #tpu.memory_space<vmem_shared>>) target_semaphore(%run_scoped3A : memref<!tpu.dma_semaphore, #tpu.memory_space<semaphore_mem>>)
      %dma_wait3A = arith.constant 0 : i32
      %dma_wait3A_55 = tpu.memref_slice %arg7[%add3A_14, %dma_wait3A] : memref<10000x128xf32, #tpu.memory_space<vmem_shared>> -> memref<80x128xf32, #tpu.memory_space<vmem_shared>>
      %dma_wait3A_56 = arith.constant 0 : i32
      %dma_wait3A_57 = tpu.memref_slice %arg7[%add3A_14, %dma_wait3A_56] : memref<10000x128xf32, #tpu.memory_space<vmem_shared>> -> memref<80x128xf32, #tpu.memory_space<vmem_shared>>
      tpu.wait_dma2 semaphore(%run_scoped3A : memref<!tpu.dma_semaphore, #tpu.memory_space<semaphore_mem>>) src(%arg10 : memref<80x128xf32, #tpu.memory_space<vmem>>) dst(%dma_wait3A_57 : memref<80x128xf32, #tpu.memory_space<vmem_shared>>)
      tpu.yield
    }) : () -> ()
    %add3A_15 = arith.constant 240 : i32
    %add3A_16 = arith.addi %mul3A_8, %add3A_15 : i32
    "tpu.region"() ({
      %run_scoped3A = tpu.sem_alloc : memref<!tpu.dma_semaphore, #tpu.memory_space<semaphore_mem>>
      %dma_start3A = arith.constant 0 : i32
      %dma_start3A_52 = tpu.memref_slice %arg7[%add3A_16, %dma_start3A] : memref<10000x128xf32, #tpu.memory_space<vmem_shared>> -> memref<80x128xf32, #tpu.memory_space<vmem_shared>>
      %dma_start3A_53 = arith.constant 0 : i32
      %dma_start3A_54 = tpu.memref_slice %arg7[%add3A_16, %dma_start3A_53] : memref<10000x128xf32, #tpu.memory_space<vmem_shared>> -> memref<80x128xf32, #tpu.memory_space<vmem_shared>>
      tpu.enqueue_dma source(%arg10 : memref<80x128xf32, #tpu.memory_space<vmem>>) target(%dma_start3A_54 : memref<80x128xf32, #tpu.memory_space<vmem_shared>>) target_semaphore(%run_scoped3A : memref<!tpu.dma_semaphore, #tpu.memory_space<semaphore_mem>>)
      %dma_wait3A = arith.constant 0 : i32
      %dma_wait3A_55 = tpu.memref_slice %arg7[%add3A_16, %dma_wait3A] : memref<10000x128xf32, #tpu.memory_space<vmem_shared>> -> memref<80x128xf32, #tpu.memory_space<vmem_shared>>
      %dma_wait3A_56 = arith.constant 0 : i32
      %dma_wait3A_57 = tpu.memref_slice %arg7[%add3A_16, %dma_wait3A_56] : memref<10000x128xf32, #tpu.memory_space<vmem_shared>> -> memref<80x128xf32, #tpu.memory_space<vmem_shared>>
      tpu.wait_dma2 semaphore(%run_scoped3A : memref<!tpu.dma_semaphore, #tpu.memory_space<semaphore_mem>>) src(%arg10 : memref<80x128xf32, #tpu.memory_space<vmem>>) dst(%dma_wait3A_57 : memref<80x128xf32, #tpu.memory_space<vmem_shared>>)
      tpu.yield
    }) : () -> ()
    %add3A_17 = arith.constant 320 : i32
    %add3A_18 = arith.addi %mul3A_8, %add3A_17 : i32
    "tpu.region"() ({
      %run_scoped3A = tpu.sem_alloc : memref<!tpu.dma_semaphore, #tpu.memory_space<semaphore_mem>>
      %dma_start3A = arith.constant 0 : i32
      %dma_start3A_52 = tpu.memref_slice %arg7[%add3A_18, %dma_start3A] : memref<10000x128xf32, #tpu.memory_space<vmem_shared>> -> memref<80x128xf32, #tpu.memory_space<vmem_shared>>
      %dma_start3A_53 = arith.constant 0 : i32
      %dma_start3A_54 = tpu.memref_slice %arg7[%add3A_18, %dma_start3A_53] : memref<10000x128xf32, #tpu.memory_space<vmem_shared>> -> memref<80x128xf32, #tpu.memory_space<vmem_shared>>
      tpu.enqueue_dma source(%arg10 : memref<80x128xf32, #tpu.memory_space<vmem>>) target(%dma_start3A_54 : memref<80x128xf32, #tpu.memory_space<vmem_shared>>) target_semaphore(%run_scoped3A : memref<!tpu.dma_semaphore, #tpu.memory_space<semaphore_mem>>)
      %dma_wait3A = arith.constant 0 : i32
      %dma_wait3A_55 = tpu.memref_slice %arg7[%add3A_18, %dma_wait3A] : memref<10000x128xf32, #tpu.memory_space<vmem_shared>> -> memref<80x128xf32, #tpu.memory_space<vmem_shared>>
      %dma_wait3A_56 = arith.constant 0 : i32
      %dma_wait3A_57 = tpu.memref_slice %arg7[%add3A_18, %dma_wait3A_56] : memref<10000x128xf32, #tpu.memory_space<vmem_shared>> -> memref<80x128xf32, #tpu.memory_space<vmem_shared>>
      tpu.wait_dma2 semaphore(%run_scoped3A : memref<!tpu.dma_semaphore, #tpu.memory_space<semaphore_mem>>) src(%arg10 : memref<80x128xf32, #tpu.memory_space<vmem>>) dst(%dma_wait3A_57 : memref<80x128xf32, #tpu.memory_space<vmem_shared>>)
      tpu.yield
    }) : () -> ()
    %add3A_19 = arith.constant 400 : i32
    %add3A_20 = arith.addi %mul3A_8, %add3A_19 : i32
    "tpu.region"() ({
      %run_scoped3A = tpu.sem_alloc : memref<!tpu.dma_semaphore, #tpu.memory_space<semaphore_mem>>
      %dma_start3A = arith.constant 0 : i32
      %dma_start3A_52 = tpu.memref_slice %arg7[%add3A_20, %dma_start3A] : memref<10000x128xf32, #tpu.memory_space<vmem_shared>> -> memref<80x128xf32, #tpu.memory_space<vmem_shared>>
      %dma_start3A_53 = arith.constant 0 : i32
      %dma_start3A_54 = tpu.memref_slice %arg7[%add3A_20, %dma_start3A_53] : memref<10000x128xf32, #tpu.memory_space<vmem_shared>> -> memref<80x128xf32, #tpu.memory_space<vmem_shared>>
      tpu.enqueue_dma source(%arg10 : memref<80x128xf32, #tpu.memory_space<vmem>>) target(%dma_start3A_54 : memref<80x128xf32, #tpu.memory_space<vmem_shared>>) target_semaphore(%run_scoped3A : memref<!tpu.dma_semaphore, #tpu.memory_space<semaphore_mem>>)
      %dma_wait3A = arith.constant 0 : i32
      %dma_wait3A_55 = tpu.memref_slice %arg7[%add3A_20, %dma_wait3A] : memref<10000x128xf32, #tpu.memory_space<vmem_shared>> -> memref<80x128xf32, #tpu.memory_space<vmem_shared>>
      %dma_wait3A_56 = arith.constant 0 : i32
      %dma_wait3A_57 = tpu.memref_slice %arg7[%add3A_20, %dma_wait3A_56] : memref<10000x128xf32, #tpu.memory_space<vmem_shared>> -> memref<80x128xf32, #tpu.memory_space<vmem_shared>>
      tpu.wait_dma2 semaphore(%run_scoped3A : memref<!tpu.dma_semaphore, #tpu.memory_space<semaphore_mem>>) src(%arg10 : memref<80x128xf32, #tpu.memory_space<vmem>>) dst(%dma_wait3A_57 : memref<80x128xf32, #tpu.memory_space<vmem_shared>>)
      tpu.yield
    }) : () -> ()
    %add3A_21 = arith.constant 480 : i32
    %add3A_22 = arith.addi %mul3A_8, %add3A_21 : i32
    "tpu.region"() ({
      %run_scoped3A = tpu.sem_alloc : memref<!tpu.dma_semaphore, #tpu.memory_space<semaphore_mem>>
      %dma_start3A = arith.constant 0 : i32
      %dma_start3A_52 = tpu.memref_slice %arg7[%add3A_22, %dma_start3A] : memref<10000x128xf32, #tpu.memory_space<vmem_shared>> -> memref<80x128xf32, #tpu.memory_space<vmem_shared>>
      %dma_start3A_53 = arith.constant 0 : i32
      %dma_start3A_54 = tpu.memref_slice %arg7[%add3A_22, %dma_start3A_53] : memref<10000x128xf32, #tpu.memory_space<vmem_shared>> -> memref<80x128xf32, #tpu.memory_space<vmem_shared>>
      tpu.enqueue_dma source(%arg10 : memref<80x128xf32, #tpu.memory_space<vmem>>) target(%dma_start3A_54 : memref<80x128xf32, #tpu.memory_space<vmem_shared>>) target_semaphore(%run_scoped3A : memref<!tpu.dma_semaphore, #tpu.memory_space<semaphore_mem>>)
      %dma_wait3A = arith.constant 0 : i32
      %dma_wait3A_55 = tpu.memref_slice %arg7[%add3A_22, %dma_wait3A] : memref<10000x128xf32, #tpu.memory_space<vmem_shared>> -> memref<80x128xf32, #tpu.memory_space<vmem_shared>>
      %dma_wait3A_56 = arith.constant 0 : i32
      %dma_wait3A_57 = tpu.memref_slice %arg7[%add3A_22, %dma_wait3A_56] : memref<10000x128xf32, #tpu.memory_space<vmem_shared>> -> memref<80x128xf32, #tpu.memory_space<vmem_shared>>
      tpu.wait_dma2 semaphore(%run_scoped3A : memref<!tpu.dma_semaphore, #tpu.memory_space<semaphore_mem>>) src(%arg10 : memref<80x128xf32, #tpu.memory_space<vmem>>) dst(%dma_wait3A_57 : memref<80x128xf32, #tpu.memory_space<vmem_shared>>)
      tpu.yield
    }) : () -> ()
    %add3A_23 = arith.constant 560 : i32
    %add3A_24 = arith.addi %mul3A_8, %add3A_23 : i32
    "tpu.region"() ({
      %run_scoped3A = tpu.sem_alloc : memref<!tpu.dma_semaphore, #tpu.memory_space<semaphore_mem>>
      %dma_start3A = arith.constant 0 : i32
      %dma_start3A_52 = arith.constant 0 : i32
      %dma_start3A_53 = tpu.memref_slice %arg10[%dma_start3A, %dma_start3A_52] : memref<80x128xf32, #tpu.memory_space<vmem>> -> memref<64x128xf32, #tpu.memory_space<vmem>>
      %dma_start3A_54 = arith.constant 0 : i32
      %dma_start3A_55 = tpu.memref_slice %arg7[%add3A_24, %dma_start3A_54] : memref<10000x128xf32, #tpu.memory_space<vmem_shared>> -> memref<64x128xf32, #tpu.memory_space<vmem_shared>>
      %dma_start3A_56 = arith.constant 0 : i32
      %dma_start3A_57 = tpu.memref_slice %arg7[%add3A_24, %dma_start3A_56] : memref<10000x128xf32, #tpu.memory_space<vmem_shared>> -> memref<64x128xf32, #tpu.memory_space<vmem_shared>>
      %dma_start3A_58 = arith.constant 0 : i32
      %dma_start3A_59 = arith.constant 0 : i32
      %dma_start3A_60 = tpu.memref_slice %arg10[%dma_start3A_58, %dma_start3A_59] : memref<80x128xf32, #tpu.memory_space<vmem>> -> memref<64x128xf32, #tpu.memory_space<vmem>>
      tpu.enqueue_dma source(%dma_start3A_60 : memref<64x128xf32, #tpu.memory_space<vmem>>) target(%dma_start3A_57 : memref<64x128xf32, #tpu.memory_space<vmem_shared>>) target_semaphore(%run_scoped3A : memref<!tpu.dma_semaphore, #tpu.memory_space<semaphore_mem>>)
      %dma_wait3A = arith.constant 0 : i32
      %dma_wait3A_61 = arith.constant 0 : i32
      %dma_wait3A_62 = tpu.memref_slice %arg10[%dma_wait3A, %dma_wait3A_61] : memref<80x128xf32, #tpu.memory_space<vmem>> -> memref<64x128xf32, #tpu.memory_space<vmem>>
      %dma_wait3A_63 = arith.constant 0 : i32
      %dma_wait3A_64 = tpu.memref_slice %arg7[%add3A_24, %dma_wait3A_63] : memref<10000x128xf32, #tpu.memory_space<vmem_shared>> -> memref<64x128xf32, #tpu.memory_space<vmem_shared>>
      %dma_wait3A_65 = arith.constant 0 : i32
      %dma_wait3A_66 = tpu.memref_slice %arg7[%add3A_24, %dma_wait3A_65] : memref<10000x128xf32, #tpu.memory_space<vmem_shared>> -> memref<64x128xf32, #tpu.memory_space<vmem_shared>>
      %dma_wait3A_67 = arith.constant 0 : i32
      %dma_wait3A_68 = arith.constant 0 : i32
      %dma_wait3A_69 = tpu.memref_slice %arg10[%dma_wait3A_67, %dma_wait3A_68] : memref<80x128xf32, #tpu.memory_space<vmem>> -> memref<64x128xf32, #tpu.memory_space<vmem>>
      tpu.wait_dma2 semaphore(%run_scoped3A : memref<!tpu.dma_semaphore, #tpu.memory_space<semaphore_mem>>) src(%dma_wait3A_69 : memref<64x128xf32, #tpu.memory_space<vmem>>) dst(%dma_wait3A_66 : memref<64x128xf32, #tpu.memory_space<vmem_shared>>)
      tpu.yield
    }) : () -> ()
    %eq3A = arith.constant 15 : i32
    %eq3A_25 = arith.cmpi eq, %arg1, %eq3A : i32
    %convert_element_type3A = arith.extui %eq3A_25 : i1 to i32
    %cond3A = arith.constant 0 : i32
    %cond3A_26 = arith.cmpi ne, %convert_element_type3A, %cond3A : i32
    scf.if %cond3A_26 {
      "tpu.region"() ({
        %run_scoped3A = tpu.sem_alloc : memref<!tpu.dma_semaphore, #tpu.memory_space<semaphore_mem>>
        %dma_start3A = arith.constant 0 : i32
        %dma_start3A_52 = arith.constant 0 : i32
        %dma_start3A_53 = tpu.memref_slice %arg10[%dma_start3A, %dma_start3A_52] : memref<80x128xf32, #tpu.memory_space<vmem>> -> memref<16x128xf32, #tpu.memory_space<vmem>>
        %dma_start3A_54 = arith.constant 9984 : i32
        %dma_start3A_55 = arith.constant 0 : i32
        %dma_start3A_56 = tpu.memref_slice %arg7[%dma_start3A_54, %dma_start3A_55] : memref<10000x128xf32, #tpu.memory_space<vmem_shared>> -> memref<16x128xf32, #tpu.memory_space<vmem_shared>>
        %dma_start3A_57 = arith.constant 9984 : i32
        %dma_start3A_58 = arith.constant 0 : i32
        %dma_start3A_59 = tpu.memref_slice %arg7[%dma_start3A_57, %dma_start3A_58] : memref<10000x128xf32, #tpu.memory_space<vmem_shared>> -> memref<16x128xf32, #tpu.memory_space<vmem_shared>>
        %dma_start3A_60 = arith.constant 0 : i32
        %dma_start3A_61 = arith.constant 0 : i32
        %dma_start3A_62 = tpu.memref_slice %arg10[%dma_start3A_60, %dma_start3A_61] : memref<80x128xf32, #tpu.memory_space<vmem>> -> memref<16x128xf32, #tpu.memory_space<vmem>>
        tpu.enqueue_dma source(%dma_start3A_62 : memref<16x128xf32, #tpu.memory_space<vmem>>) target(%dma_start3A_59 : memref<16x128xf32, #tpu.memory_space<vmem_shared>>) target_semaphore(%run_scoped3A : memref<!tpu.dma_semaphore, #tpu.memory_space<semaphore_mem>>)
        %dma_wait3A = arith.constant 0 : i32
        %dma_wait3A_63 = arith.constant 0 : i32
        %dma_wait3A_64 = tpu.memref_slice %arg10[%dma_wait3A, %dma_wait3A_63] : memref<80x128xf32, #tpu.memory_space<vmem>> -> memref<16x128xf32, #tpu.memory_space<vmem>>
        %dma_wait3A_65 = arith.constant 9984 : i32
        %dma_wait3A_66 = arith.constant 0 : i32
        %dma_wait3A_67 = tpu.memref_slice %arg7[%dma_wait3A_65, %dma_wait3A_66] : memref<10000x128xf32, #tpu.memory_space<vmem_shared>> -> memref<16x128xf32, #tpu.memory_space<vmem_shared>>
        %dma_wait3A_68 = arith.constant 9984 : i32
        %dma_wait3A_69 = arith.constant 0 : i32
        %dma_wait3A_70 = tpu.memref_slice %arg7[%dma_wait3A_68, %dma_wait3A_69] : memref<10000x128xf32, #tpu.memory_space<vmem_shared>> -> memref<16x128xf32, #tpu.memory_space<vmem_shared>>
        %dma_wait3A_71 = arith.constant 0 : i32
        %dma_wait3A_72 = arith.constant 0 : i32
        %dma_wait3A_73 = tpu.memref_slice %arg10[%dma_wait3A_71, %dma_wait3A_72] : memref<80x128xf32, #tpu.memory_space<vmem>> -> memref<16x128xf32, #tpu.memory_space<vmem>>
        tpu.wait_dma2 semaphore(%run_scoped3A : memref<!tpu.dma_semaphore, #tpu.memory_space<semaphore_mem>>) src(%dma_wait3A_73 : memref<16x128xf32, #tpu.memory_space<vmem>>) dst(%dma_wait3A_70 : memref<16x128xf32, #tpu.memory_space<vmem_shared>>)
        tpu.yield
      }) : () -> ()
    } else {
    }
    %barrier3A = arith.constant 0 : index
    tpu.barrier barrier_id(%barrier3A)
    %add3A_27 = arith.constant 0 : i32
    %add3A_28 = arith.addi %add3A_27, %add3A : i32
    %lt3A = arith.constant 4000 : i32
    %lt3A_29 = arith.cmpi slt, %add3A_28, %lt3A : i32
    %convert_element_type3A_30 = arith.extui %lt3A_29 : i1 to i32
    %cond3A_31 = arith.constant 0 : i32
    %cond3A_32 = arith.cmpi ne, %convert_element_type3A_30, %cond3A_31 : i32
    scf.if %cond3A_32 {
      %mul3A_52 = arith.constant 80 : i32
      %mul3A_53 = arith.muli %add3A_28, %mul3A_52 : i32
      %dma_start3A = tpu.memref_slice %arg3[%mul3A_53] : memref<320000xi32, #tpu.memory_space<hbm>> -> memref<80xi32, #tpu.memory_space<hbm>>
      %dma_start3A_54 = tpu.memref_slice %arg3[%mul3A_53] : memref<320000xi32, #tpu.memory_space<hbm>> -> memref<80xi32, #tpu.memory_space<hbm>>
      tpu.enqueue_dma source(%dma_start3A_54 : memref<80xi32, #tpu.memory_space<hbm>>) target(%arg8 : memref<80xi32, #tpu.memory_space<vmem>>) target_semaphore(%arg20 : memref<!tpu.dma_semaphore, #tpu.memory_space<semaphore_mem>>)
      %dma_start3A_55 = tpu.memref_slice %arg4[%mul3A_53] : memref<320000xi32, #tpu.memory_space<hbm>> -> memref<80xi32, #tpu.memory_space<hbm>>
      %dma_start3A_56 = tpu.memref_slice %arg4[%mul3A_53] : memref<320000xi32, #tpu.memory_space<hbm>> -> memref<80xi32, #tpu.memory_space<hbm>>
      tpu.enqueue_dma source(%dma_start3A_56 : memref<80xi32, #tpu.memory_space<hbm>>) target(%arg9 : memref<80xi32, #tpu.memory_space<vmem>>) target_semaphore(%arg21 : memref<!tpu.dma_semaphore, #tpu.memory_space<semaphore_mem>>)
      %dma_start3A_57 = arith.constant 0 : i32
      %dma_start3A_58 = tpu.memref_slice %arg5[%mul3A_53, %dma_start3A_57] : memref<320000x128xf32, #tpu.memory_space<hbm>> -> memref<80x128xf32, #tpu.memory_space<hbm>>
      %dma_start3A_59 = arith.constant 0 : i32
      %dma_start3A_60 = tpu.memref_slice %arg5[%mul3A_53, %dma_start3A_59] : memref<320000x128xf32, #tpu.memory_space<hbm>> -> memref<80x128xf32, #tpu.memory_space<hbm>>
      tpu.enqueue_dma source(%dma_start3A_60 : memref<80x128xf32, #tpu.memory_space<hbm>>) target(%arg10 : memref<80x128xf32, #tpu.memory_space<vmem>>) target_semaphore(%arg17 : memref<!tpu.dma_semaphore, #tpu.memory_space<semaphore_mem>>)
      %dma_wait3A = arith.constant 0 : i32
      %dma_wait3A_61 = tpu.memref_slice %arg3[%dma_wait3A] : memref<320000xi32, #tpu.memory_space<hbm>> -> memref<80xi32, #tpu.memory_space<hbm>>
      %dma_wait3A_62 = arith.constant 0 : i32
      %dma_wait3A_63 = tpu.memref_slice %arg3[%dma_wait3A_62] : memref<320000xi32, #tpu.memory_space<hbm>> -> memref<80xi32, #tpu.memory_space<hbm>>
      tpu.wait_dma2 semaphore(%arg20 : memref<!tpu.dma_semaphore, #tpu.memory_space<semaphore_mem>>) src(%dma_wait3A_63 : memref<80xi32, #tpu.memory_space<hbm>>) dst(%arg8 : memref<80xi32, #tpu.memory_space<vmem>>)
      %dma_start3A_64 = arith.constant 0 : i32
      %dma_start3A_65 = arith.constant 0 : i32
      %dma_start3A_66 = tpu.memref_slice %arg2[%dma_start3A_64, %dma_start3A_65] : memref<10000x128xf32, #tpu.memory_space<hbm>> -> memref<10000x128xf32, #tpu.memory_space<hbm>>
      tpu.enqueue_indirect_dma source(%dma_start3A_66 : memref<10000x128xf32, #tpu.memory_space<hbm>>) target(%arg11 : memref<80x128xf32, #tpu.memory_space<vmem>>) offsets(%arg8 : memref<80xi32, #tpu.memory_space<vmem>>) semaphore(%arg16 : memref<!tpu.dma_semaphore, #tpu.memory_space<semaphore_mem>>)
    } else {
    }
    %scan3A_33 = arith.constant 0 : i32
    %scan3A_34 = arith.constant 0 : i32
    %scan3A_35 = arith.constant 63 : i32
    %scan3A_36 = arith.addi %scan3A_34, %scan3A_35 : i32
    %scan3A_37 = arith.constant 1 : i32
    scf.for %scan3A_52 = %scan3A_34 to %scan3A_36 step %scan3A_37  : i32 {
      %mul3A_53 = arith.constant 2 : i32
      %mul3A_54 = arith.muli %scan3A_52, %mul3A_53 : i32
      %add3A_55 = arith.constant 1 : i32
      %add3A_56 = arith.addi %mul3A_54, %add3A_55 : i32
      %mul3A_57 = arith.constant 32 : i32
      %mul3A_58 = arith.muli %add3A_56, %mul3A_57 : i32
      %add3A_59 = arith.addi %mul3A_58, %add3A : i32
      %lt3A_60 = arith.constant 4000 : i32
      %lt3A_61 = arith.cmpi slt, %add3A_59, %lt3A_60 : i32
      %convert_element_type3A_62 = arith.extui %lt3A_61 : i1 to i32
      %cond3A_63 = arith.constant 0 : i32
      %cond3A_64 = arith.cmpi ne, %convert_element_type3A_62, %cond3A_63 : i32
      scf.if %cond3A_64 {
        %mul3A_93 = arith.constant 80 : i32
        %mul3A_94 = arith.muli %add3A_59, %mul3A_93 : i32
        %dma_start3A = tpu.memref_slice %arg3[%mul3A_94] : memref<320000xi32, #tpu.memory_space<hbm>> -> memref<80xi32, #tpu.memory_space<hbm>>
        %dma_start3A_95 = tpu.memref_slice %arg3[%mul3A_94] : memref<320000xi32, #tpu.memory_space<hbm>> -> memref<80xi32, #tpu.memory_space<hbm>>
        tpu.enqueue_dma source(%dma_start3A_95 : memref<80xi32, #tpu.memory_space<hbm>>) target(%arg12 : memref<80xi32, #tpu.memory_space<vmem>>) target_semaphore(%arg22 : memref<!tpu.dma_semaphore, #tpu.memory_space<semaphore_mem>>)
        %dma_start3A_96 = tpu.memref_slice %arg4[%mul3A_94] : memref<320000xi32, #tpu.memory_space<hbm>> -> memref<80xi32, #tpu.memory_space<hbm>>
        %dma_start3A_97 = tpu.memref_slice %arg4[%mul3A_94] : memref<320000xi32, #tpu.memory_space<hbm>> -> memref<80xi32, #tpu.memory_space<hbm>>
        tpu.enqueue_dma source(%dma_start3A_97 : memref<80xi32, #tpu.memory_space<hbm>>) target(%arg13 : memref<80xi32, #tpu.memory_space<vmem>>) target_semaphore(%arg23 : memref<!tpu.dma_semaphore, #tpu.memory_space<semaphore_mem>>)
        %dma_start3A_98 = arith.constant 0 : i32
        %dma_start3A_99 = tpu.memref_slice %arg5[%mul3A_94, %dma_start3A_98] : memref<320000x128xf32, #tpu.memory_space<hbm>> -> memref<80x128xf32, #tpu.memory_space<hbm>>
        %dma_start3A_100 = arith.constant 0 : i32
        %dma_start3A_101 = tpu.memref_slice %arg5[%mul3A_94, %dma_start3A_100] : memref<320000x128xf32, #tpu.memory_space<hbm>> -> memref<80x128xf32, #tpu.memory_space<hbm>>
        tpu.enqueue_dma source(%dma_start3A_101 : memref<80x128xf32, #tpu.memory_space<hbm>>) target(%arg14 : memref<80x128xf32, #tpu.memory_space<vmem>>) target_semaphore(%arg19 : memref<!tpu.dma_semaphore, #tpu.memory_space<semaphore_mem>>)
        %dma_wait3A = arith.constant 0 : i32
        %dma_wait3A_102 = tpu.memref_slice %arg3[%dma_wait3A] : memref<320000xi32, #tpu.memory_space<hbm>> -> memref<80xi32, #tpu.memory_space<hbm>>
        %dma_wait3A_103 = arith.constant 0 : i32
        %dma_wait3A_104 = tpu.memref_slice %arg3[%dma_wait3A_103] : memref<320000xi32, #tpu.memory_space<hbm>> -> memref<80xi32, #tpu.memory_space<hbm>>
        tpu.wait_dma2 semaphore(%arg22 : memref<!tpu.dma_semaphore, #tpu.memory_space<semaphore_mem>>) src(%dma_wait3A_104 : memref<80xi32, #tpu.memory_space<hbm>>) dst(%arg12 : memref<80xi32, #tpu.memory_space<vmem>>)
        %dma_start3A_105 = arith.constant 0 : i32
        %dma_start3A_106 = arith.constant 0 : i32
        %dma_start3A_107 = tpu.memref_slice %arg2[%dma_start3A_105, %dma_start3A_106] : memref<10000x128xf32, #tpu.memory_space<hbm>> -> memref<10000x128xf32, #tpu.memory_space<hbm>>
        tpu.enqueue_indirect_dma source(%dma_start3A_107 : memref<10000x128xf32, #tpu.memory_space<hbm>>) target(%arg15 : memref<80x128xf32, #tpu.memory_space<vmem>>) offsets(%arg12 : memref<80xi32, #tpu.memory_space<vmem>>) semaphore(%arg18 : memref<!tpu.dma_semaphore, #tpu.memory_space<semaphore_mem>>)
      } else {
      }
      %mul3A_65 = arith.constant 32 : i32
      %mul3A_66 = arith.muli %mul3A_54, %mul3A_65 : i32
      %add3A_67 = arith.addi %mul3A_66, %add3A : i32
      %lt3A_68 = arith.constant 4000 : i32
      %lt3A_69 = arith.cmpi slt, %add3A_67, %lt3A_68 : i32
      %convert_element_type3A_70 = arith.extui %lt3A_69 : i1 to i32
      %cond3A_71 = arith.constant 0 : i32
      %cond3A_72 = arith.cmpi ne, %convert_element_type3A_70, %cond3A_71 : i32
      scf.if %cond3A_72 {
        %dma_wait3A = arith.constant 0 : i32
        %dma_wait3A_93 = tpu.memref_slice %arg4[%dma_wait3A] : memref<320000xi32, #tpu.memory_space<hbm>> -> memref<80xi32, #tpu.memory_space<hbm>>
        %dma_wait3A_94 = arith.constant 0 : i32
        %dma_wait3A_95 = tpu.memref_slice %arg4[%dma_wait3A_94] : memref<320000xi32, #tpu.memory_space<hbm>> -> memref<80xi32, #tpu.memory_space<hbm>>
        tpu.wait_dma2 semaphore(%arg21 : memref<!tpu.dma_semaphore, #tpu.memory_space<semaphore_mem>>) src(%dma_wait3A_95 : memref<80xi32, #tpu.memory_space<hbm>>) dst(%arg9 : memref<80xi32, #tpu.memory_space<vmem>>)
        %dma_wait3A_96 = arith.constant 0 : i32
        %dma_wait3A_97 = arith.constant 0 : i32
        %dma_wait3A_98 = tpu.memref_slice %arg5[%dma_wait3A_96, %dma_wait3A_97] : memref<320000x128xf32, #tpu.memory_space<hbm>> -> memref<80x128xf32, #tpu.memory_space<hbm>>
        %dma_wait3A_99 = arith.constant 0 : i32
        %dma_wait3A_100 = arith.constant 0 : i32
        %dma_wait3A_101 = tpu.memref_slice %arg5[%dma_wait3A_99, %dma_wait3A_100] : memref<320000x128xf32, #tpu.memory_space<hbm>> -> memref<80x128xf32, #tpu.memory_space<hbm>>
        tpu.wait_dma2 semaphore(%arg17 : memref<!tpu.dma_semaphore, #tpu.memory_space<semaphore_mem>>) src(%dma_wait3A_101 : memref<80x128xf32, #tpu.memory_space<hbm>>) dst(%arg10 : memref<80x128xf32, #tpu.memory_space<vmem>>)
        %dma_wait3A_102 = arith.constant 0 : i32
        %dma_wait3A_103 = arith.constant 0 : i32
        %dma_wait3A_104 = tpu.memref_slice %arg2[%dma_wait3A_102, %dma_wait3A_103] : memref<10000x128xf32, #tpu.memory_space<hbm>> -> memref<80x128xf32, #tpu.memory_space<hbm>>
        %dma_wait3A_105 = arith.constant 0 : i32
        %dma_wait3A_106 = arith.constant 0 : i32
        %dma_wait3A_107 = tpu.memref_slice %arg2[%dma_wait3A_105, %dma_wait3A_106] : memref<10000x128xf32, #tpu.memory_space<hbm>> -> memref<80x128xf32, #tpu.memory_space<hbm>>
        tpu.wait_dma2 semaphore(%arg16 : memref<!tpu.dma_semaphore, #tpu.memory_space<semaphore_mem>>) src(%dma_wait3A_107 : memref<80x128xf32, #tpu.memory_space<hbm>>) dst(%arg11 : memref<80x128xf32, #tpu.memory_space<vmem>>)
        %dma_start3A = arith.constant 0 : i32
        %dma_start3A_108 = arith.constant 0 : i32
        %dma_start3A_109 = tpu.memref_slice %arg7[%dma_start3A, %dma_start3A_108] : memref<10000x128xf32, #tpu.memory_space<vmem_shared>> -> memref<10000x128xf32, #tpu.memory_space<vmem_shared>>
        tpu.enqueue_indirect_dma source(%arg10 : memref<80x128xf32, #tpu.memory_space<vmem>>) target(%dma_start3A_109 : memref<10000x128xf32, #tpu.memory_space<vmem_shared>>) offsets(%arg9 : memref<80xi32, #tpu.memory_space<vmem>>) semaphore(%arg17 : memref<!tpu.dma_semaphore, #tpu.memory_space<semaphore_mem>>) {add = true}
        "tpu.region"() ({
          %run_scoped3A = tpu.sem_alloc : memref<!tpu.dma_semaphore, #tpu.memory_space<semaphore_mem>>
          %dma_start3A_116 = arith.constant 0 : i32
          %dma_start3A_117 = arith.constant 0 : i32
          %dma_start3A_118 = tpu.memref_slice %arg7[%dma_start3A_116, %dma_start3A_117] : memref<10000x128xf32, #tpu.memory_space<vmem_shared>> -> memref<10000x128xf32, #tpu.memory_space<vmem_shared>>
          tpu.enqueue_indirect_dma source(%arg11 : memref<80x128xf32, #tpu.memory_space<vmem>>) target(%dma_start3A_118 : memref<10000x128xf32, #tpu.memory_space<vmem_shared>>) offsets(%arg9 : memref<80xi32, #tpu.memory_space<vmem>>) semaphore(%run_scoped3A : memref<!tpu.dma_semaphore, #tpu.memory_space<semaphore_mem>>) {add = true}
          %dma_wait3A_119 = arith.constant 0 : i32
          %dma_wait3A_120 = arith.constant 0 : i32
          %dma_wait3A_121 = tpu.memref_slice %arg7[%dma_wait3A_119, %dma_wait3A_120] : memref<10000x128xf32, #tpu.memory_space<vmem_shared>> -> memref<10000x128xf32, #tpu.memory_space<vmem_shared>>
          tpu.wait_indirect_dma semaphore(%run_scoped3A : memref<!tpu.dma_semaphore, #tpu.memory_space<semaphore_mem>>) src(%arg11 : memref<80x128xf32, #tpu.memory_space<vmem>>) dst(%dma_wait3A_121 : memref<10000x128xf32, #tpu.memory_space<vmem_shared>>)
          tpu.yield
        }) : () -> ()
        %dma_wait3A_110 = arith.constant 0 : i32
        %dma_wait3A_111 = arith.constant 0 : i32
        %dma_wait3A_112 = tpu.memref_slice %arg5[%dma_wait3A_110, %dma_wait3A_111] : memref<320000x128xf32, #tpu.memory_space<hbm>> -> memref<80x128xf32, #tpu.memory_space<hbm>>
        %dma_wait3A_113 = arith.constant 0 : i32
        %dma_wait3A_114 = arith.constant 0 : i32
        %dma_wait3A_115 = tpu.memref_slice %arg5[%dma_wait3A_113, %dma_wait3A_114] : memref<320000x128xf32, #tpu.memory_space<hbm>> -> memref<80x128xf32, #tpu.memory_space<hbm>>
        tpu.wait_dma2 semaphore(%arg17 : memref<!tpu.dma_semaphore, #tpu.memory_space<semaphore_mem>>) src(%dma_wait3A_115 : memref<80x128xf32, #tpu.memory_space<hbm>>) dst(%arg10 : memref<80x128xf32, #tpu.memory_space<vmem>>)
      } else {
      }
      %add3A_73 = arith.constant 2 : i32
      %add3A_74 = arith.addi %mul3A_54, %add3A_73 : i32
      %mul3A_75 = arith.constant 32 : i32
      %mul3A_76 = arith.muli %add3A_74, %mul3A_75 : i32
      %add3A_77 = arith.addi %mul3A_76, %add3A : i32
      %lt3A_78 = arith.constant 4000 : i32
      %lt3A_79 = arith.cmpi slt, %add3A_77, %lt3A_78 : i32
      %convert_element_type3A_80 = arith.extui %lt3A_79 : i1 to i32
      %cond3A_81 = arith.constant 0 : i32
      %cond3A_82 = arith.cmpi ne, %convert_element_type3A_80, %cond3A_81 : i32
      scf.if %cond3A_82 {
        %mul3A_93 = arith.constant 80 : i32
        %mul3A_94 = arith.muli %add3A_77, %mul3A_93 : i32
        %dma_start3A = tpu.memref_slice %arg3[%mul3A_94] : memref<320000xi32, #tpu.memory_space<hbm>> -> memref<80xi32, #tpu.memory_space<hbm>>
        %dma_start3A_95 = tpu.memref_slice %arg3[%mul3A_94] : memref<320000xi32, #tpu.memory_space<hbm>> -> memref<80xi32, #tpu.memory_space<hbm>>
        tpu.enqueue_dma source(%dma_start3A_95 : memref<80xi32, #tpu.memory_space<hbm>>) target(%arg8 : memref<80xi32, #tpu.memory_space<vmem>>) target_semaphore(%arg20 : memref<!tpu.dma_semaphore, #tpu.memory_space<semaphore_mem>>)
        %dma_start3A_96 = tpu.memref_slice %arg4[%mul3A_94] : memref<320000xi32, #tpu.memory_space<hbm>> -> memref<80xi32, #tpu.memory_space<hbm>>
        %dma_start3A_97 = tpu.memref_slice %arg4[%mul3A_94] : memref<320000xi32, #tpu.memory_space<hbm>> -> memref<80xi32, #tpu.memory_space<hbm>>
        tpu.enqueue_dma source(%dma_start3A_97 : memref<80xi32, #tpu.memory_space<hbm>>) target(%arg9 : memref<80xi32, #tpu.memory_space<vmem>>) target_semaphore(%arg21 : memref<!tpu.dma_semaphore, #tpu.memory_space<semaphore_mem>>)
        %dma_start3A_98 = arith.constant 0 : i32
        %dma_start3A_99 = tpu.memref_slice %arg5[%mul3A_94, %dma_start3A_98] : memref<320000x128xf32, #tpu.memory_space<hbm>> -> memref<80x128xf32, #tpu.memory_space<hbm>>
        %dma_start3A_100 = arith.constant 0 : i32
        %dma_start3A_101 = tpu.memref_slice %arg5[%mul3A_94, %dma_start3A_100] : memref<320000x128xf32, #tpu.memory_space<hbm>> -> memref<80x128xf32, #tpu.memory_space<hbm>>
        tpu.enqueue_dma source(%dma_start3A_101 : memref<80x128xf32, #tpu.memory_space<hbm>>) target(%arg10 : memref<80x128xf32, #tpu.memory_space<vmem>>) target_semaphore(%arg17 : memref<!tpu.dma_semaphore, #tpu.memory_space<semaphore_mem>>)
        %dma_wait3A = arith.constant 0 : i32
        %dma_wait3A_102 = tpu.memref_slice %arg3[%dma_wait3A] : memref<320000xi32, #tpu.memory_space<hbm>> -> memref<80xi32, #tpu.memory_space<hbm>>
        %dma_wait3A_103 = arith.constant 0 : i32
        %dma_wait3A_104 = tpu.memref_slice %arg3[%dma_wait3A_103] : memref<320000xi32, #tpu.memory_space<hbm>> -> memref<80xi32, #tpu.memory_space<hbm>>
        tpu.wait_dma2 semaphore(%arg20 : memref<!tpu.dma_semaphore, #tpu.memory_space<semaphore_mem>>) src(%dma_wait3A_104 : memref<80xi32, #tpu.memory_space<hbm>>) dst(%arg8 : memref<80xi32, #tpu.memory_space<vmem>>)
        %dma_start3A_105 = arith.constant 0 : i32
        %dma_start3A_106 = arith.constant 0 : i32
        %dma_start3A_107 = tpu.memref_slice %arg2[%dma_start3A_105, %dma_start3A_106] : memref<10000x128xf32, #tpu.memory_space<hbm>> -> memref<10000x128xf32, #tpu.memory_space<hbm>>
        tpu.enqueue_indirect_dma source(%dma_start3A_107 : memref<10000x128xf32, #tpu.memory_space<hbm>>) target(%arg11 : memref<80x128xf32, #tpu.memory_space<vmem>>) offsets(%arg8 : memref<80xi32, #tpu.memory_space<vmem>>) semaphore(%arg16 : memref<!tpu.dma_semaphore, #tpu.memory_space<semaphore_mem>>)
      } else {
      }
      %add3A_83 = arith.constant 1 : i32
      %add3A_84 = arith.addi %mul3A_54, %add3A_83 : i32
      %mul3A_85 = arith.constant 32 : i32
      %mul3A_86 = arith.muli %add3A_84, %mul3A_85 : i32
      %add3A_87 = arith.addi %mul3A_86, %add3A : i32
      %lt3A_88 = arith.constant 4000 : i32
      %lt3A_89 = arith.cmpi slt, %add3A_87, %lt3A_88 : i32
      %convert_element_type3A_90 = arith.extui %lt3A_89 : i1 to i32
      %cond3A_91 = arith.constant 0 : i32
      %cond3A_92 = arith.cmpi ne, %convert_element_type3A_90, %cond3A_91 : i32
      scf.if %cond3A_92 {
        %dma_wait3A = arith.constant 0 : i32
        %dma_wait3A_93 = tpu.memref_slice %arg4[%dma_wait3A] : memref<320000xi32, #tpu.memory_space<hbm>> -> memref<80xi32, #tpu.memory_space<hbm>>
        %dma_wait3A_94 = arith.constant 0 : i32
        %dma_wait3A_95 = tpu.memref_slice %arg4[%dma_wait3A_94] : memref<320000xi32, #tpu.memory_space<hbm>> -> memref<80xi32, #tpu.memory_space<hbm>>
        tpu.wait_dma2 semaphore(%arg23 : memref<!tpu.dma_semaphore, #tpu.memory_space<semaphore_mem>>) src(%dma_wait3A_95 : memref<80xi32, #tpu.memory_space<hbm>>) dst(%arg13 : memref<80xi32, #tpu.memory_space<vmem>>)
        %dma_wait3A_96 = arith.constant 0 : i32
        %dma_wait3A_97 = arith.constant 0 : i32
        %dma_wait3A_98 = tpu.memref_slice %arg5[%dma_wait3A_96, %dma_wait3A_97] : memref<320000x128xf32, #tpu.memory_space<hbm>> -> memref<80x128xf32, #tpu.memory_space<hbm>>
        %dma_wait3A_99 = arith.constant 0 : i32
        %dma_wait3A_100 = arith.constant 0 : i32
        %dma_wait3A_101 = tpu.memref_slice %arg5[%dma_wait3A_99, %dma_wait3A_100] : memref<320000x128xf32, #tpu.memory_space<hbm>> -> memref<80x128xf32, #tpu.memory_space<hbm>>
        tpu.wait_dma2 semaphore(%arg19 : memref<!tpu.dma_semaphore, #tpu.memory_space<semaphore_mem>>) src(%dma_wait3A_101 : memref<80x128xf32, #tpu.memory_space<hbm>>) dst(%arg14 : memref<80x128xf32, #tpu.memory_space<vmem>>)
        %dma_wait3A_102 = arith.constant 0 : i32
        %dma_wait3A_103 = arith.constant 0 : i32
        %dma_wait3A_104 = tpu.memref_slice %arg2[%dma_wait3A_102, %dma_wait3A_103] : memref<10000x128xf32, #tpu.memory_space<hbm>> -> memref<80x128xf32, #tpu.memory_space<hbm>>
        %dma_wait3A_105 = arith.constant 0 : i32
        %dma_wait3A_106 = arith.constant 0 : i32
        %dma_wait3A_107 = tpu.memref_slice %arg2[%dma_wait3A_105, %dma_wait3A_106] : memref<10000x128xf32, #tpu.memory_space<hbm>> -> memref<80x128xf32, #tpu.memory_space<hbm>>
        tpu.wait_dma2 semaphore(%arg18 : memref<!tpu.dma_semaphore, #tpu.memory_space<semaphore_mem>>) src(%dma_wait3A_107 : memref<80x128xf32, #tpu.memory_space<hbm>>) dst(%arg15 : memref<80x128xf32, #tpu.memory_space<vmem>>)
        %dma_start3A = arith.constant 0 : i32
        %dma_start3A_108 = arith.constant 0 : i32
        %dma_start3A_109 = tpu.memref_slice %arg7[%dma_start3A, %dma_start3A_108] : memref<10000x128xf32, #tpu.memory_space<vmem_shared>> -> memref<10000x128xf32, #tpu.memory_space<vmem_shared>>
        tpu.enqueue_indirect_dma source(%arg14 : memref<80x128xf32, #tpu.memory_space<vmem>>) target(%dma_start3A_109 : memref<10000x128xf32, #tpu.memory_space<vmem_shared>>) offsets(%arg13 : memref<80xi32, #tpu.memory_space<vmem>>) semaphore(%arg19 : memref<!tpu.dma_semaphore, #tpu.memory_space<semaphore_mem>>) {add = true}
        "tpu.region"() ({
          %run_scoped3A = tpu.sem_alloc : memref<!tpu.dma_semaphore, #tpu.memory_space<semaphore_mem>>
          %dma_start3A_116 = arith.constant 0 : i32
          %dma_start3A_117 = arith.constant 0 : i32
          %dma_start3A_118 = tpu.memref_slice %arg7[%dma_start3A_116, %dma_start3A_117] : memref<10000x128xf32, #tpu.memory_space<vmem_shared>> -> memref<10000x128xf32, #tpu.memory_space<vmem_shared>>
          tpu.enqueue_indirect_dma source(%arg15 : memref<80x128xf32, #tpu.memory_space<vmem>>) target(%dma_start3A_118 : memref<10000x128xf32, #tpu.memory_space<vmem_shared>>) offsets(%arg13 : memref<80xi32, #tpu.memory_space<vmem>>) semaphore(%run_scoped3A : memref<!tpu.dma_semaphore, #tpu.memory_space<semaphore_mem>>) {add = true}
          %dma_wait3A_119 = arith.constant 0 : i32
          %dma_wait3A_120 = arith.constant 0 : i32
          %dma_wait3A_121 = tpu.memref_slice %arg7[%dma_wait3A_119, %dma_wait3A_120] : memref<10000x128xf32, #tpu.memory_space<vmem_shared>> -> memref<10000x128xf32, #tpu.memory_space<vmem_shared>>
          tpu.wait_indirect_dma semaphore(%run_scoped3A : memref<!tpu.dma_semaphore, #tpu.memory_space<semaphore_mem>>) src(%arg15 : memref<80x128xf32, #tpu.memory_space<vmem>>) dst(%dma_wait3A_121 : memref<10000x128xf32, #tpu.memory_space<vmem_shared>>)
          tpu.yield
        }) : () -> ()
        %dma_wait3A_110 = arith.constant 0 : i32
        %dma_wait3A_111 = arith.constant 0 : i32
        %dma_wait3A_112 = tpu.memref_slice %arg5[%dma_wait3A_110, %dma_wait3A_111] : memref<320000x128xf32, #tpu.memory_space<hbm>> -> memref<80x128xf32, #tpu.memory_space<hbm>>
        %dma_wait3A_113 = arith.constant 0 : i32
        %dma_wait3A_114 = arith.constant 0 : i32
        %dma_wait3A_115 = tpu.memref_slice %arg5[%dma_wait3A_113, %dma_wait3A_114] : memref<320000x128xf32, #tpu.memory_space<hbm>> -> memref<80x128xf32, #tpu.memory_space<hbm>>
        tpu.wait_dma2 semaphore(%arg19 : memref<!tpu.dma_semaphore, #tpu.memory_space<semaphore_mem>>) src(%dma_wait3A_115 : memref<80x128xf32, #tpu.memory_space<hbm>>) dst(%arg14 : memref<80x128xf32, #tpu.memory_space<vmem>>)
      } else {
      }
    }
    %scan3A_38 = arith.constant 63 : i32
    %barrier3A_39 = arith.constant 0 : index
    tpu.barrier barrier_id(%barrier3A_39)
    %mul3A_40 = arith.constant 10000 : i32
    %mul3A_41 = arith.muli %arg0, %mul3A_40 : i32
    %mul3A_42 = arith.constant 624 : i32
    %mul3A_43 = arith.muli %arg1, %mul3A_42 : i32
    %add3A_44 = arith.addi %mul3A_41, %mul3A_43 : i32
    %mul3A_45 = arith.constant 624 : i32
    %mul3A_46 = arith.muli %arg1, %mul3A_45 : i32
    "tpu.region"() ({
      %run_scoped3A = tpu.sem_alloc : memref<!tpu.dma_semaphore, #tpu.memory_space<semaphore_mem>>
      %dma_start3A = arith.constant 0 : i32
      %dma_start3A_52 = tpu.memref_slice %arg6[%add3A_44, %dma_start3A] : memref<20000x128xf32, #tpu.memory_space<hbm>> -> memref<624x128xf32, #tpu.memory_space<hbm>>
      %dma_start3A_53 = arith.constant 0 : i32
      %dma_start3A_54 = tpu.memref_slice %arg7[%mul3A_46, %dma_start3A_53] : memref<10000x128xf32, #tpu.memory_space<vmem_shared>> -> memref<624x128xf32, #tpu.memory_space<vmem_shared>>
      tpu.enqueue_dma source(%dma_start3A_54 : memref<624x128xf32, #tpu.memory_space<vmem_shared>>) target(%dma_start3A_52 : memref<624x128xf32, #tpu.memory_space<hbm>>) target_semaphore(%run_scoped3A : memref<!tpu.dma_semaphore, #tpu.memory_space<semaphore_mem>>)
      %dma_wait3A = arith.constant 0 : i32
      %dma_wait3A_55 = tpu.memref_slice %arg6[%add3A_44, %dma_wait3A] : memref<20000x128xf32, #tpu.memory_space<hbm>> -> memref<624x128xf32, #tpu.memory_space<hbm>>
      %dma_wait3A_56 = arith.constant 0 : i32
      %dma_wait3A_57 = tpu.memref_slice %arg7[%mul3A_46, %dma_wait3A_56] : memref<10000x128xf32, #tpu.memory_space<vmem_shared>> -> memref<624x128xf32, #tpu.memory_space<vmem_shared>>
      tpu.wait_dma2 semaphore(%run_scoped3A : memref<!tpu.dma_semaphore, #tpu.memory_space<semaphore_mem>>) src(%dma_wait3A_57 : memref<624x128xf32, #tpu.memory_space<vmem_shared>>) dst(%dma_wait3A_55 : memref<624x128xf32, #tpu.memory_space<hbm>>)
      tpu.yield
    }) : () -> ()
    %eq3A_47 = arith.constant 15 : i32
    %eq3A_48 = arith.cmpi eq, %arg1, %eq3A_47 : i32
    %convert_element_type3A_49 = arith.extui %eq3A_48 : i1 to i32
    %cond3A_50 = arith.constant 0 : i32
    %cond3A_51 = arith.cmpi ne, %convert_element_type3A_49, %cond3A_50 : i32
    scf.if %cond3A_51 {
      %mul3A_52 = arith.constant 10000 : i32
      %mul3A_53 = arith.muli %arg0, %mul3A_52 : i32
      %add3A_54 = arith.constant 9984 : i32
      %add3A_55 = arith.addi %mul3A_53, %add3A_54 : i32
      "tpu.region"() ({
        %run_scoped3A = tpu.sem_alloc : memref<!tpu.dma_semaphore, #tpu.memory_space<semaphore_mem>>
        %dma_start3A = arith.constant 0 : i32
        %dma_start3A_56 = tpu.memref_slice %arg6[%add3A_55, %dma_start3A] : memref<20000x128xf32, #tpu.memory_space<hbm>> -> memref<16x128xf32, #tpu.memory_space<hbm>>
        %dma_start3A_57 = arith.constant 9984 : i32
        %dma_start3A_58 = arith.constant 0 : i32
        %dma_start3A_59 = tpu.memref_slice %arg7[%dma_start3A_57, %dma_start3A_58] : memref<10000x128xf32, #tpu.memory_space<vmem_shared>> -> memref<16x128xf32, #tpu.memory_space<vmem_shared>>
        tpu.enqueue_dma source(%dma_start3A_59 : memref<16x128xf32, #tpu.memory_space<vmem_shared>>) target(%dma_start3A_56 : memref<16x128xf32, #tpu.memory_space<hbm>>) target_semaphore(%run_scoped3A : memref<!tpu.dma_semaphore, #tpu.memory_space<semaphore_mem>>)
        %dma_wait3A = arith.constant 0 : i32
        %dma_wait3A_60 = tpu.memref_slice %arg6[%add3A_55, %dma_wait3A] : memref<20000x128xf32, #tpu.memory_space<hbm>> -> memref<16x128xf32, #tpu.memory_space<hbm>>
        %dma_wait3A_61 = arith.constant 9984 : i32
        %dma_wait3A_62 = arith.constant 0 : i32
        %dma_wait3A_63 = tpu.memref_slice %arg7[%dma_wait3A_61, %dma_wait3A_62] : memref<10000x128xf32, #tpu.memory_space<vmem_shared>> -> memref<16x128xf32, #tpu.memory_space<vmem_shared>>
        tpu.wait_dma2 semaphore(%run_scoped3A : memref<!tpu.dma_semaphore, #tpu.memory_space<semaphore_mem>>) src(%dma_wait3A_63 : memref<16x128xf32, #tpu.memory_space<vmem_shared>>) dst(%dma_wait3A_60 : memref<16x128xf32, #tpu.memory_space<hbm>>)
        tpu.yield
      }) : () -> ()
    } else {
    }
    return
  }
}

module attributes {stable_mosaic.version = 14 : i64} {
  func.func @_mlp_body(%arg0: i32, %arg1: memref<2x1000x128xf32, #tpu.memory_space<vmem>>, %arg2: memref<1000x128xf32, #tpu.memory_space<vmem>>, %arg3: memref<128x256xf32, #tpu.memory_space<vmem>>, %arg4: memref<1x256xf32, #tpu.memory_space<vmem>>, %arg5: memref<256x128xf32, #tpu.memory_space<vmem>>, %arg6: memref<1x128xf32, #tpu.memory_space<vmem>>, %arg7: memref<1x1xf32, #tpu.memory_space<vmem>>, %arg8: memref<1000x128xf32, #tpu.memory_space<vmem>>) attributes {dimension_semantics = [#tpu.dimension_semantics<arbitrary>], iteration_bounds = array<i64: 10>, scalar_prefetch = 0 : i64, scratch_operands = 0 : i64, tpu.core_type = #tpu.core_type<tc>, window_params = [{transform_indices = @transform_0, window_bounds = array<i64: 2, 1000, 128>}, {transform_indices = @transform_1, window_bounds = array<i64: 1000, 128>}, {pipeline_mode = #tpu.pipeline_mode<synchronous>, transform_indices = @transform_2, window_bounds = array<i64: 128, 256>}, {pipeline_mode = #tpu.pipeline_mode<synchronous>, transform_indices = @transform_3, window_bounds = array<i64: 1, 256>}, {pipeline_mode = #tpu.pipeline_mode<synchronous>, transform_indices = @transform_4, window_bounds = array<i64: 256, 128>}, {pipeline_mode = #tpu.pipeline_mode<synchronous>, transform_indices = @transform_5, window_bounds = array<i64: 1, 128>}, {pipeline_mode = #tpu.pipeline_mode<synchronous>, transform_indices = @transform_6, window_bounds = array<i64: 1, 1>}, {transform_indices = @transform_7, window_bounds = array<i64: 1000, 128>}]} {
    %get3A = arith.constant 0 : index
    %get3A_0 = arith.constant 0 : index
    %get3A_1 = arith.constant 0 : index
    %get3A_2 = vector.load %arg1[%get3A, %get3A_0, %get3A_1] : memref<2x1000x128xf32, #tpu.memory_space<vmem>>, vector<1x1000x128xf32>
    %get3A_3 = vector.shape_cast %get3A_2 : vector<1x1000x128xf32> to vector<1000x128xf32>
    %get3A_4 = arith.constant 1 : index
    %get3A_5 = arith.constant 0 : index
    %get3A_6 = arith.constant 0 : index
    %get3A_7 = vector.load %arg1[%get3A_4, %get3A_5, %get3A_6] : memref<2x1000x128xf32, #tpu.memory_space<vmem>>, vector<1x1000x128xf32>
    %get3A_8 = vector.shape_cast %get3A_7 : vector<1x1000x128xf32> to vector<1000x128xf32>
    %add3A = arith.addf %get3A_3, %get3A_8 : vector<1000x128xf32>
    %get3A_9 = arith.constant 0 : index
    %get3A_10 = arith.constant 0 : index
    %get3A_11 = vector.load %arg3[%get3A_9, %get3A_10] : memref<128x256xf32, #tpu.memory_space<vmem>>, vector<128x256xf32>
    %dot_general3A = arith.constant dense<0.000000e+00> : vector<1000x256xf32>
    %dot_general3A_12 = tpu.matmul %add3A, %get3A_11, %dot_general3A {dimension_numbers = #tpu.dot_dimension_numbers<[1], [0], [0], [1], [0, 0, 1, 1], [], []>, transpose_lhs_hint = false} : vector<1000x128xf32>, vector<128x256xf32>, vector<1000x256xf32> -> vector<1000x256xf32>
    %get3A_13 = arith.constant 0 : index
    %get3A_14 = arith.constant 0 : index
    %get3A_15 = vector.load %arg4[%get3A_13, %get3A_14] : memref<1x256xf32, #tpu.memory_space<vmem>>, vector<1x256xf32>
    %add3A_16 = vector.broadcast %get3A_15 : vector<1x256xf32> to vector<1000x256xf32>
    %add3A_17 = arith.addf %dot_general3A_12, %add3A_16 : vector<1000x256xf32>
    %max3A = arith.constant 0.000000e+00 : f32
    %max3A_18 = vector.broadcast %max3A : f32 to vector<1000x256xf32>
    %max3A_19 = arith.maximumf %add3A_17, %max3A_18 : vector<1000x256xf32>
    %get3A_20 = arith.constant 0 : index
    %get3A_21 = arith.constant 0 : index
    %get3A_22 = vector.load %arg5[%get3A_20, %get3A_21] : memref<256x128xf32, #tpu.memory_space<vmem>>, vector<256x128xf32>
    %dot_general3A_23 = arith.constant dense<0.000000e+00> : vector<1000x128xf32>
    %dot_general3A_24 = tpu.matmul %max3A_19, %get3A_22, %dot_general3A_23 {dimension_numbers = #tpu.dot_dimension_numbers<[1], [0], [0], [1], [0, 0, 1, 1], [], []>, transpose_lhs_hint = false} : vector<1000x256xf32>, vector<256x128xf32>, vector<1000x128xf32> -> vector<1000x128xf32>
    %get3A_25 = arith.constant 0 : index
    %get3A_26 = arith.constant 0 : index
    %get3A_27 = vector.load %arg6[%get3A_25, %get3A_26] : memref<1x128xf32, #tpu.memory_space<vmem>>, vector<1x128xf32>
    %add3A_28 = vector.broadcast %get3A_27 : vector<1x128xf32> to vector<1000x128xf32>
    %add3A_29 = arith.addf %dot_general3A_24, %add3A_28 : vector<1000x128xf32>
    %get3A_30 = arith.constant 0 : index
    %get3A_31 = arith.constant 0 : index
    %get3A_32 = vector.load %arg7[%get3A_30, %get3A_31] : memref<1x1xf32, #tpu.memory_space<vmem>>, vector<1x1xf32>
    %get3A_33 = vector.extract %get3A_32[0, 0] : f32 from vector<1x1xf32>
    %add3A_34 = arith.constant 1.000000e+00 : f32
    %add3A_35 = arith.addf %add3A_34, %get3A_33 : f32
    %get3A_36 = arith.constant 0 : index
    %get3A_37 = arith.constant 0 : index
    %get3A_38 = vector.load %arg2[%get3A_36, %get3A_37] : memref<1000x128xf32, #tpu.memory_space<vmem>>, vector<1000x128xf32>
    %mul3A = vector.broadcast %add3A_35 : f32 to vector<1000x128xf32>
    %mul3A_39 = arith.mulf %mul3A, %get3A_38 : vector<1000x128xf32>
    %add3A_40 = arith.addf %add3A_29, %mul3A_39 : vector<1000x128xf32>
    %swap3A = arith.constant 0 : index
    %swap3A_41 = arith.constant 0 : index
    %swap3A_42 = vector.load %arg8[%swap3A, %swap3A_41] : memref<1000x128xf32, #tpu.memory_space<vmem>>, vector<1000x128xf32>
    tpu.vector_store %arg8[%swap3A, %swap3A_41], %add3A_40 {strides = array<i32>} : memref<1000x128xf32, #tpu.memory_space<vmem>>, vector<1000x128xf32>,
    return
  }
  func.func @transform_0(%arg0: i32) -> (i32, i32, i32) {
    %c0_i32 = arith.constant 0 : i32
    %c0_i32_0 = arith.constant 0 : i32
    %c0_i32_1 = arith.constant 0 : i32
    return %c0_i32, %arg0, %c0_i32_0 : i32, i32, i32
  }
  func.func @transform_1(%arg0: i32) -> (i32, i32) {
    %c0_i32 = arith.constant 0 : i32
    %c0_i32_0 = arith.constant 0 : i32
    return %arg0, %c0_i32 : i32, i32
  }
  func.func @transform_2(%arg0: i32) -> (i32, i32) {
    %c0_i32 = arith.constant 0 : i32
    %c0_i32_0 = arith.constant 0 : i32
    %c0_i32_1 = arith.constant 0 : i32
    return %c0_i32, %c0_i32_0 : i32, i32
  }
  func.func @transform_3(%arg0: i32) -> (i32, i32) {
    %c0_i32 = arith.constant 0 : i32
    %c0_i32_0 = arith.constant 0 : i32
    %c0_i32_1 = arith.constant 0 : i32
    return %c0_i32, %c0_i32_0 : i32, i32
  }
  func.func @transform_4(%arg0: i32) -> (i32, i32) {
    %c0_i32 = arith.constant 0 : i32
    %c0_i32_0 = arith.constant 0 : i32
    %c0_i32_1 = arith.constant 0 : i32
    return %c0_i32, %c0_i32_0 : i32, i32
  }
  func.func @transform_5(%arg0: i32) -> (i32, i32) {
    %c0_i32 = arith.constant 0 : i32
    %c0_i32_0 = arith.constant 0 : i32
    %c0_i32_1 = arith.constant 0 : i32
    return %c0_i32, %c0_i32_0 : i32, i32
  }
  func.func @transform_6(%arg0: i32) -> (i32, i32) {
    %c0_i32 = arith.constant 0 : i32
    %c0_i32_0 = arith.constant 0 : i32
    %c0_i32_1 = arith.constant 0 : i32
    return %c0_i32, %c0_i32_0 : i32, i32
  }
  func.func @transform_7(%arg0: i32) -> (i32, i32) {
    %c0_i32 = arith.constant 0 : i32
    %c0_i32_0 = arith.constant 0 : i32
    return %arg0, %c0_i32 : i32, i32
  }
}

</mosaic_0001>

<sc_bundles>
// kernel: kernel.4.cloned.1.call-start
scs
__scs_entry_jumppad:
0x0: {  	(pc) =	sbr.rel $0x88, $3  }
0x1: {  	(tag) =	ssettag $0x0;
	lr =	simm.s32 $0x1  }
0x2: {  	[smem:$0x3F99] =	sst lr;
	_ =	strace $0xD0000000  }
0x3: {  	_ = 	snop  }
0x4: {  	_ = 	snop  }
0x5: {  	_ = 	snop  }
0x6: {  	_ = 	snop  }
0x7: {  	_ = 	snop  }
__scs_overlays_trampoline_lowered:
0x8: {  	[smem:$0x3FA8] =	sst s0  }
0x9: {  	[smem:$0x3FA9] =	sst s1  }
0xa: {  	[smem:$0x3FAA] =	sst s2  }
0xb: {  	[smem:$0x3FAB] =	sst s3  }
0xc: {  	[smem:$0x3FAC] =	sst s4  }
0xd: {  	[smem:$0x3FAD] =	sst s5  }
0xe: {  	[smem:$0x3FAE] =	sst s6  }
0xf: {  	[smem:$0x3FAF] =	sst s7  }
0x10: {  	[smem:$0x3FB0] =	sst s8  }
0x11: {  	[smem:$0x3FB1] =	sst s9;
	s0 =	simm.s32 @!p0 $0x0  }
0x12: {  	s1 =	sld [smem:$0x3F97];
	s0 =	simm.s32 @p0 $0x1  }
0x13: {  	[smem:$0x3FB2] =	sst s0;
	s0 =	simm.s32 @!p1 $0x0  }
0x14: {  	s2 =	sld [smem:$0x3F96];
	s0 =	simm.s32 @p1 $0x1  }
0x15: {  	[smem:$0x3FB3] =	sst s0;
	s0 =	simm.s32 @!p2 $0x0  }
0x16: {  	s3 =	sld [smem:$0x3FDB];
	s0 =	simm.s32 @p2 $0x1  }
0x17: {  	s4 =	simm.s32 $0x1BF5;
	[smem:$0x3FB5] =	sst s0  }
0x18: {  	s0 =	sld [smem:$0x3F98];
	_ =	swait.ge [sflag:s4], $0x0  }
0x19: {  	s7 =	sld [smem:$0x3F99]  }
0x1a: {  	s8 =	sadd.s32 $0xFFFFE003, lr  }
0x1b: {  	s9 =	sadd.s32 $0xFFFFFEF7, lr;
	s5 =	simm.s32 $0xFFFFFFFF;
	p2 =	slt.u32 s8, $0xFFFFF086  }
0x1c: {  	p1 =	slt.u32 s9, $0xF7A;
	s5 =	simm.s32 @!p2 $0x0  }
0x1d: {  	s5 =	simm.s32 @p1 $0x1;
	p0 =	seq.s32 s7, s2  }
0x1e: {  	s7 =	smul.u32 @!p0 $0xF7A, s2;
	p2 =	seq.s32 @!p0 s5, $0x0  }
0x1f: {  	s9 =	smul.u32 $0xF7A, s1;
	s8 =	simm.s32 @!p0 $0x1BF5;
	p2 =	por !p2, p0  }
0x20: {  	[sflag:s8] =	ssyncset.s32 @!p0 $0xFFFFF086;
	s6 =	sadd.s32 @!p0 s3, s7;
	s7 =	simm.s32 @!p0 $0x108  }
0x21: {  	s3 =	sadd.s32 s3, s9;
	s6 =	sadd.s32 @!p0 $0x88, s6;
	s7 =	simm.s32 @p2 $0x1082  }
0x22: {  	[simem:s7], [sflag:s8] =	dma.local @!p0 [hbm:s6], $0xF7A  }
0x23: {  	s9 =	sor.u32 $0xD0000000, s2;
	s6 =	simm.s32 $0x108;
	_ =	swait.ge @!p0 [sflag:s8], $0x0  }
0x24: {  	s3 =	sadd.s32 $0x88, s3;
	s6 =	simm.s32 @!p1 $0x1082;
	[sflag:s4] =	ssyncset.s32 $0xFFFFF086  }
0x25: {  	[simem:s6], [sflag:s4] =	dma.local [hbm:s3], $0xF7A  }
0x26: {  	[smem:$0x3F99] =	sst s1;
	(tag) =	ssettag s2;
	_ =	strace s9  }
0x27: {  	s1 =	sld [smem:$0x3FA9]  }
0x28: {  	s2 =	sld [smem:$0x3FAA]  }
0x29: {  	s4 =	sld [smem:$0x3FAC]  }
0x2a: {  	p0 =	seq.s32 s5, $0x0;
	s5 =	sld [smem:$0x3FAD]  }
0x2b: {  	s6 =	sld [smem:$0x3FAE]  }
0x2c: {  	s7 =	sld [smem:$0x3FAF]  }
0x2d: {  	s3 =	simm.s32 $0x108;
	s8 =	sld [smem:$0x3FB0]  }
0x2e: {  	s3 =	simm.s32 @!p0 $0x1082;
	s9 =	sld [smem:$0x3FB1]  }
0x2f: {  	lr =	sadd.s32 s0, s3;
	s0 =	sld [smem:$0x3FA8]  }
0x30: {  	s3 =	sld [smem:$0x3FAB]  }
0x31: {  	[smem:$0x3FB4] =	sst s10  }
0x32: {  	s10 =	sld [smem:$0x3FB2];
	_ =	sdelay $0x3  }
0x33: {  	p0 =	seq.s32 s10, $0x1;
	s10 =	sld [smem:$0x3FB4];
	_ =	sdelay $0x3  }
0x34: {  	[smem:$0x3FB4] =	sst s10  }
0x35: {  	s10 =	sld [smem:$0x3FB3];
	_ =	sdelay $0x3  }
0x36: {  	p1 =	seq.s32 s10, $0x1;
	s10 =	sld [smem:$0x3FB4];
	_ =	sdelay $0x3  }
0x37: {  	[smem:$0x3FB4] =	sst s10  }
0x38: {  	s10 =	sld [smem:$0x3FB5]  }
0x39: {  	_ = 	snop;
	(pc) =	sbr.ind lr, $3  }
0x3a: {  	_ = 	snop  }
0x3b: {  	_ = 	snop  }
0x3c: {  	p2 =	seq.s32 s10, $0x1;
	s10 =	sld [smem:$0x3FB4]  }
0x3d: {  	_ =	shalt  }
0x3e: {  	_ =	shalt  }
0x3f: {  	_ =	shalt  }
0x40: {  	_ =	shalt  }
0x41: {  	_ =	shalt  }
0x42: {  	_ =	shalt  }
0x43: {  	_ =	shalt  }
0x44: {  	_ =	shalt  }
0x45: {  	_ =	shalt  }
0x46: {  	_ =	shalt  }
0x47: {  	_ =	shalt  }
0x48: {  	_ =	shalt  }
0x49: {  	_ =	shalt  }
0x4a: {  	_ =	shalt  }
0x4b: {  	_ =	shalt  }
0x4c: {  	_ =	shalt  }
0x4d: {  	_ =	shalt  }
0x4e: {  	_ =	shalt  }
0x4f: {  	_ =	shalt  }
0x50: {  	_ =	shalt  }
0x51: {  	_ =	shalt  }
0x52: {  	_ =	shalt  }
0x53: {  	_ =	shalt  }
0x54: {  	_ =	shalt  }
0x55: {  	_ =	shalt  }
0x56: {  	_ =	shalt  }
0x57: {  	_ =	shalt  }
0x58: {  	_ =	shalt  }
0x59: {  	_ =	shalt  }
0x5a: {  	_ =	shalt  }
0x5b: {  	_ =	shalt  }
0x5c: {  	_ =	shalt  }
0x5d: {  	_ =	shalt  }
0x5e: {  	_ =	shalt  }
0x5f: {  	_ =	shalt  }
0x60: {  	_ =	shalt  }
0x61: {  	_ =	shalt  }
0x62: {  	_ =	shalt  }
0x63: {  	_ =	shalt  }
0x64: {  	_ =	shalt  }
0x65: {  	_ =	shalt  }
0x66: {  	_ =	shalt  }
0x67: {  	_ =	shalt  }
0x68: {  	_ =	shalt  }
0x69: {  	_ =	shalt  }
0x6a: {  	_ =	shalt  }
0x6b: {  	_ =	shalt  }
0x6c: {  	_ =	shalt  }
0x6d: {  	_ =	shalt  }
0x6e: {  	_ =	shalt  }
0x6f: {  	_ =	shalt  }
0x70: {  	_ =	shalt  }
0x71: {  	_ =	shalt  }
0x72: {  	_ =	shalt  }
0x73: {  	_ =	shalt  }
0x74: {  	_ =	shalt  }
0x75: {  	_ =	shalt  }
0x76: {  	_ =	shalt  }
0x77: {  	_ =	shalt  }
0x78: {  	_ =	shalt  }
0x79: {  	_ =	shalt  }
0x7a: {  	_ =	shalt  }
0x7b: {  	_ =	shalt  }
0x7c: {  	_ =	shalt  }
0x7d: {  	_ =	shalt  }
0x7e: {  	_ =	shalt  }
0x7f: {  	_ =	shalt  }
0x80: {  	_ =	shalt  }
0x81: {  	_ =	shalt  }
0x82: {  	_ =	shalt  }
0x83: {  	_ =	shalt  }
0x84: {  	_ =	shalt  }
0x85: {  	_ =	shalt  }
0x86: {  	_ =	shalt  }
0x87: {  	_ =	shalt  }
.Lfunc_end0:
.L_simem_size_0:
called_computation_lowered:
.L_overlay_start_0:
0x88: {  	s2 =	sld [smem:$0x3FD9]  }
0x89: {  	s3 =	sld [smem:$0x3FFE];
	_ =	sdelay $0x1  }
0x8a: {  	s1 =	srdreg.scid  }
0x8b: {  	s0 =	sand.u32 $0x1, s1  }
0x8c: {  	s17 =	sshll.u32 s0, $0xA;
	s2 =	sadd.s32 s3, s2  }
0x8d: {  	s2 =	sadd.s32 s2, s17  }
0x8e: {  	[smem:$0x3FC0] =	sst s2  }
0x8f: {  	_ = 	snop  }
0x90: {  	s2 =	sld [smem:$0x3FC9]  }
0x91: {  	s18 =	sld [smem:$0x3FC7]  }
0x92: {  	s4 =	sld [smem:$0x3FD0];
	(tm) =	ssettm $0x1  }
0x93: {  	s5 =	sld [smem:$0x3FFB];
	_ =	sdelay $0x3  }
0x94: {  	_ =	strace s5  }
0x95: {  	s5 =	sld [smem:$0x3FFC];
	_ =	sdelay $0x3  }
0x96: {  	_ =	strace s5  }
0x97: {  	s5 =	sld [smem:$0x3FFD];
	_ =	sdelay $0x3  }
0x98: {  	_ =	strace s5  }
0x99: {  	_ =	strace $0x8FFFFFFF  }
0x9a: {  	s19 =	sld [smem:$0x3FDB];
	_ =	sdelay $0x1  }
0x9b: {  	s6 =	simm.s32 $_scs_section_size  }
0x9c: {  	s7 =	simm.s32 $_size__tile_overlayer_lowered;
	s8 =	simm.s32 $_tile_overlayer_lowered  }
0x9d: {  	s22 =	simm.s32 $0x1BFF;
	s21 =	sshll.u32 s8, $0x1;
	s5 =	sadd.s32 s6, s19  }
0x9e: {  	s9 =	simm.s32 $0x0;
	s20 =	sshll.u32 s7, $0x1;
	s7 =	sadd.s32 s21, s5  }
0x9f: {  	[timem:s9], [sflag:s22] =	dma.local [hbm:s7], s20  }
0xa0: {  	_ =	swait.ge [sflag:s22], s20  }
0xa1: {  	s6 =	ssub.s32 $0x0, s20;
	[sflag:s22] =	ssyncset.done $0x0  }
0xa2: {  	[sflag:s22] =	ssyncadd.s32 s6;
	_ =	sdelay $0x1  }
0xa3: {  	s23 =	simm.s32 $0x1B8B  }
0xa4: {  	_ =	swait.ge [sflag:s23], $0x1  }
0xa5: {  	[sflag:s23] =	ssyncset.done $0x0  }
0xa6: {  	s25 =	simm.s32 $0x1B8E;
	s24 =	sld [smem:$0x3FFE];
	[sflag:s23] =	ssyncadd.s32 $0xFFFFFFFF  }
0xa7: {  	s26 =	simm.s32 $execute0_lowered;
	[smem:$0x3FD2] =	sst s25  }
0xa8: {  	s7 =	sshll.u32 s26, $0x1;
	_ =	strace $0x80000046;
	[dreg:$0x1] =	wrdreg $0xFFFFFFFF  }
0xa9: {  	s28 =	simm.s32 $_size_execute0_lowered;
	s5 =	sadd.s32 s5, s7;
	[dreg:$0x0] =	wrdreg $0x0  }
0xaa: {  	s7 =	sshll.u32 s28, $0x1;
	[dreg:$0x2] =	wrdreg s5  }
0xab: {  	[dreg:$0x3] =	wrdreg s7  }
0xac: {  	[dreg:$0x4] =	wrdreg $0xC0  }
0xad: {  	_ =	task [dreg:s9], $0x5FFFF  }
0xae: {  	[dreg:$0x1] =	wrdreg $0xFFFFFFFF  }
0xaf: {  	[dreg:$0x0] =	wrdreg $0x60  }
0xb0: {  	[dreg:$0x2] =	wrdreg s2  }
0xb1: {  	[dreg:$0x3] =	wrdreg s24  }
0xb2: {  	[dreg:$0x4] =	wrdreg s4  }
0xb3: {  	[dreg:$0x5] =	wrdreg s18  }
0xb4: {  	[dreg:$0x6] =	wrdreg $0x0  }
0xb5: {  	[dreg:$0x7] =	wrdreg $0x9  }
0xb6: {  	_ =	task.clear_ibuf [dreg:s9], $0x8FFFF;
	_ =	strace $0x90000046  }
0xb7: {  	s29 =	simm.s32 $0x9;
	_ =	strace $0x80000048  }
0xb8: {  	_ =	swait.ge [sflag:s29], $0x1  }
0xb9: {  	[sflag:s29] =	ssyncadd.s32 $0xFFFFFFFF  }
0xba: {  	_ =	strace $0x90000048  }
0xbb: {  	_ =	sfence  }
0xbc: {  	s30 =	sld [smem:$0x0];
	_ =	sdelay $0x2  }
0xbd: {  	s31 =	sshll.u32 s1, $0xD;
	s1 =	sshrl.u32 s1, $0x2  }
0xbe: {  	s3 =	sand.u32 $0x4000, s31;
	s1 =	sadd.s32 s1, s30  }
0xbf: {  	s0 =	sor.u32 s3, s0;
	s1 =	sshll.u32 s1, $0x11  }
0xc0: {  	s0 =	sor.u32 s1, s0  }
0xc1: {  	s0 =	sadd.s32 $0x8F2B, s0  }
0xc2: {  	[sflag:s0] =	ssyncadd.remote.s32 $0x1  }
0xc3: {  	_ =	sfence.sel $0xFFFF  }
0xc4: {  	[dreg:$0x0] =	wrdreg $0xFFFFFFFF;
	(pc) =	sbr.abs _section_cstart, $3  }
0xc5: {  	[dreg:$0x1] =	wrdreg $0xFFFFFFFF  }
0xc6: {  	_ =	task.clear_ibuf [dreg:s9], $0x2FFFF;
	_ =	strace $0x9FFFFFFF  }
0xc7: {  	(tm) =	ssettm $0x7FFFFFFF  }
tec
execute0_lowered:
.L_overlay_start_1:
0x0: {  	(tag) =	ssettag $0x1  }
0x1: {  	s1 =	rddreg [dreg:$0x0]  }
0x2: {  	s0 =	rddreg [dreg:$0x1]  }
0x3: {  	s3 =	rddreg [dreg:$0x2]  }
0x4: {  	s6 =	rddreg [dreg:$0x3]  }
0x5: {  	s2 =	rddreg [dreg:$0x4]  }
0x6: {  	s4 =	simm.s32 $0x0;
	s5 =	srdreg.scid;
	s17 =	stileid.u32  }
0x7: {  	s28 =	simm.s32 $0x13900;
	s30 =	simm.s32 $0x50;
	s31 =	simm.s32 $0x16180  }
0x8: {  	[smem:$0x7FF] =	sst s4;
	s7 =	sand.u32 $0x1, s5;
	s23 =	smul.u32 $0x4E000, s17  }
0x9: {  	s8 =	sadd.s32 $0x800, s0;
	s0 =	sadd.s32 $0xA600, s0;
	s11 =	sshll.u32 s17, $0x1  }
0xa: {  	s12 =	smul.u32 $0x2700, s17;
	p0 =	sne.s32 s17, $0xF;
	_ =	strace $0x80000047  }
0xb: {  	s9 =	ssub.s32 $0x2, s7;
	s29 =	smul.u32 $0x27100, s7;
	s5 =	sshrl.u32 s23, $0x2  }
0xc: {  	s11 =	sor.u32 s7, s11;
	s16 =	smul.u32 $0x138800, s7;
	s5 =	sadd.s32 s5, s2  }
0xd: {  	s21 =	smul.u32 $0x500, s7;
	s10 =	sshrl.u32 s9, $0x1;
	s24 =	sadd.s32 $0x2800, s5  }
0xe: {  	s25 =	smul.u32 $0xA, s11;
	s13 =	sadd.s32 $0x5000, s5;
	[dreg:$0x6] =	wrdreg s24  }
0xf: {  	s19 =	smul.u32 $0x500, s11;
	s26 =	sadd.s32 $0x7800, s5;
	[dreg:$0x7] =	wrdreg s13  }
0x10: {  	s9 =	ssub.s32 s9, s10;
	s14 =	sadd.s32 $0xA000, s5;
	[dreg:$0x8] =	wrdreg s26  }
0x11: {  	s12 =	sadd.s32 s12, s29;
	s15 =	sadd.s32 $0xC800, s5;
	[dreg:$0x9] =	wrdreg s14  }
0x12: {  	s20 =	sshrl.u32 s16, $0x3;
	s18 =	sadd.s32 $0x11800, s5;
	[dreg:$0xa] =	wrdreg s15  }
0x13: {  	s16 =	smul.u32 $0xA00, s17;
	s12 =	sadd.s32 s0, s12;
	[dreg:$0xc] =	wrdreg s18  }
0x14: {  	s0 =	sadd.s32 s0, s20;
	s22 =	sadd.s32 s6, s19;
	[dreg:$0xd] =	wrdreg s12  }
0x15: {  	s23 =	sadd.s32 s8, s25;
	s10 =	sadd.s32 s3, s25;
	[dreg:$0xe] =	wrdreg s22  }
0x16: {  	s25 =	smul.u32 $0xA, s7;
	s20 =	sor.u32 $0x20, s11;
	[dreg:$0xf] =	wrdreg s23  }
0x17: {  	s15 =	sadd.s32 $0xF000, s5;
	s14 =	sadd.s32 $0x138000, s2;
	[dreg:$0x10] =	wrdreg s10  }
0x18: {  	s6 =	sadd.s32 s16, s6;
	s0 =	sadd.s32 $0x27000, s0;
	[dreg:$0xb] =	wrdreg s15  }
0x19: {  	s24 =	smul.u32 $0x14, s17;
	s26 =	smax.u32 s9, $0x1;
	[dreg:$0x11] =	wrdreg s0  }
0x1a: {  	s6 =	sadd.s32 s21, s6;
	[dreg:$0x12] =	wrdreg s26;
	s0 =	simm.s32 $0x6  }
0x1b: {  	s29 =	sadd.s32 s24, s8;
	s21 =	sadd.s32 $0xA000, s6;
	s3 =	sadd.s32 s24, s3  }
0x1c: {  	s24 =	simm.s32 $0x13980;
	s6 =	simm.s32 $0x1;
	s22 =	sadd.s32 s25, s29  }
0x1d: {  	v0 =	vimm.f32 $0.0e+00;
	s23 =	sadd.s32 s25, s3;
	s25 =	simm.s32 $0x9;
	s3 =	simm.s32 $0x2  }
.LBB2_1:
0x1e: {  	s7 =	simm.s32 $0x0;
	s8 =	simm.s32 $0x200  }
.LBB2_2:
0x1f: {  	p1 =	sne.s32 s8, $0x9E00;
	[tilespmem:s7+$0x139F0] =	vst v0  }
0x20: {  	[tilespmem:s7+$0x13980] =	vst v0  }
0x21: {  	[tilespmem:s7+$0x13990] =	vst v0  }
.Ltmp0:
0x22: {  	[tilespmem:s7+$0x139A0] =	vst v0;
	(pc) =	sbr.rel @p1 .LBB2_2-.Ltmp0, $4  }
0x23: {  	[tilespmem:s7+$0x139B0] =	vst v0  }
0x24: {  	[tilespmem:s7+$0x139C0] =	vst v0  }
0x25: {  	[tilespmem:s7+$0x139D0] =	vst v0  }
0x26: {  	[tilespmem:s7+$0x139E0] =	vst v0;
	s7 =	sshra.s32 s8, $0x2;
	s8 =	sadd.s32 $0x200, s8  }
0x27: {  	[tilespmem:s7+$0x139F0] =	vst v0  }
0x28: {  	[tilespmem:s7+$0x13980] =	vst v0  }
0x29: {  	[tilespmem:s7+$0x13990] =	vst v0  }
0x2a: {  	[tilespmem:s7+$0x139A0] =	vst v0  }
0x2b: {  	[tilespmem:s7+$0x139B0] =	vst v0  }
0x2c: {  	[tilespmem:s7+$0x139C0] =	vst v0  }
0x2d: {  	[tilespmem:s7+$0x139D0] =	vst v0  }
0x2e: {  	[tilespmem:s7+$0x139E0] =	vst v0  }
0x2f: {  	[spmem:s5] =	stream.linear.scatter [tilespmem:s24], [sflag:$0x9], $0x2800, $0x38;
	[tilespmem:$0x1DA80] =	vst v63  }
0x30: {  	_ =	swait.ge [sflag:s25], $0x2800  }
0x31: {  	[sflag:s25] =	ssyncset.done $0x0  }
0x32: {  	s10 =	rddreg [dreg:$0x6];
	[sflag:s25] =	ssyncadd.s32 $0xFFFFD800  }
0x33: {  	[spmem:s10] =	stream.linear.scatter [tilespmem:s24], [sflag:$0x9], $0x2800, $0x38;
	[tilespmem:$0x1DA80] =	vst v63  }
0x34: {  	_ =	swait.ge [sflag:s25], $0x2800  }
0x35: {  	[sflag:s25] =	ssyncset.done $0x0  }
0x36: {  	s11 =	rddreg [dreg:$0x7];
	[sflag:s25] =	ssyncadd.s32 $0xFFFFD800  }
0x37: {  	[spmem:s11] =	stream.linear.scatter [tilespmem:s24], [sflag:$0x9], $0x2800, $0x38;
	[tilespmem:$0x1DA80] =	vst v63  }
0x38: {  	_ =	swait.ge [sflag:s25], $0x2800  }
0x39: {  	[sflag:s25] =	ssyncset.done $0x0  }
0x3a: {  	s12 =	rddreg [dreg:$0x8];
	[sflag:s25] =	ssyncadd.s32 $0xFFFFD800  }
0x3b: {  	[spmem:s12] =	stream.linear.scatter [tilespmem:s24], [sflag:$0x9], $0x2800, $0x38;
	[tilespmem:$0x1DA80] =	vst v63  }
0x3c: {  	_ =	swait.ge [sflag:s25], $0x2800  }
0x3d: {  	[sflag:s25] =	ssyncset.done $0x0  }
0x3e: {  	s13 =	rddreg [dreg:$0x9];
	[sflag:s25] =	ssyncadd.s32 $0xFFFFD800  }
0x3f: {  	[spmem:s13] =	stream.linear.scatter [tilespmem:s24], [sflag:$0x9], $0x2800, $0x38;
	[tilespmem:$0x1DA80] =	vst v63  }
0x40: {  	_ =	swait.ge [sflag:s25], $0x2800  }
0x41: {  	[sflag:s25] =	ssyncset.done $0x0  }
0x42: {  	s15 =	rddreg [dreg:$0xa];
	[sflag:s25] =	ssyncadd.s32 $0xFFFFD800  }
0x43: {  	[spmem:s15] =	stream.linear.scatter [tilespmem:s24], [sflag:$0x9], $0x2800, $0x38;
	[tilespmem:$0x1DA80] =	vst v63  }
0x44: {  	_ =	swait.ge [sflag:s25], $0x2800  }
0x45: {  	[sflag:s25] =	ssyncset.done $0x0  }
0x46: {  	s16 =	rddreg [dreg:$0xb];
	[sflag:s25] =	ssyncadd.s32 $0xFFFFD800  }
0x47: {  	[spmem:s16] =	stream.linear.scatter [tilespmem:s24], [sflag:$0x9], $0x2800, $0x38;
	[tilespmem:$0x1DA80] =	vst v63  }
0x48: {  	_ =	swait.ge [sflag:s25], $0x2800  }
0x49: {  	[sflag:s25] =	ssyncset.done $0x0  }
0x4a: {  	s17 =	rddreg [dreg:$0xc];
	[sflag:s25] =	ssyncadd.s32 $0xFFFFD800  }
0x4b: {  	[spmem:s17] =	stream.linear.scatter [tilespmem:s24], [sflag:$0x9], $0x2000, $0x38;
	[tilespmem:$0x1DA80] =	vst v63  }
0x4c: {  	_ =	swait.ge [sflag:s25], $0x2000  }
0x4d: {  	[sflag:s25] =	ssyncset.done $0x0  }
0x4e: {  	s7 =	simm.s32 @!p0 $0x13980;
	[sflag:s25] =	ssyncadd.s32 $0xFFFFE000  }
0x4f: {  	[spmem:s14] =	stream.linear.scatter @!p0 [tilespmem:s7], [sflag:$0x9], $0x800, $0x38;
	[tilespmem:$0x1DA80] =	vst v63  }
0x50: {  	s7 =	simm.s32 @!p0 $0x9  }
0x51: {  	_ =	swait.ge @!p0 [sflag:s7], $0x800  }
0x52: {  	[sflag:s7] =	ssyncset.done @!p0 $0x0  }
0x53: {  	[sflag:s7] =	ssyncadd.s32 @!p0 $0xFFFFF800  }
0x54: {  	[bflag:$0x0] =	sbarrier.arrive $0xFFFF  }
0x55: {  	s18 =	simm.s32 $0x0;
	s9 =	simm.s32 $0x13880;
	s8 =	rddreg [dreg:$0xf]  }
0x56: {  	[tilespmem:s9], [sflag:$0x5] =	stream.linear.gather [hbm4b:s8+s18], $0x50, $0x38;
	[tilespmem:$0x1DA80] =	vst v63  }
0x57: {  	s19 =	rddreg [dreg:$0x10]  }
0x58: {  	[tilespmem:s28], [sflag:$0x6] =	stream.linear.gather [hbm4b:s19+s18], $0x50, $0x38;
	[tilespmem:$0x1DA80] =	vst v63  }
0x59: {  	s29 =	simm.s32 $0x5;
	s26 =	rddreg [dreg:$0xe]  }
0x5a: {  	[tilespmem:s24], [sflag:$0x2] =	stream.linear.gather [hbm4b:s26+s18], $0x2800, $0x38;
	[tilespmem:$0x1DA80] =	vst v63  }
0x5b: {  	_ =	swait.ge [sflag:s29], $0x50  }
0x5c: {  	p1 =	sgt.u32 s20, $0xF9F;
	[sflag:s29] =	ssyncset.done $0x0  }
0x5d: {  	s10 =	simm.s32 @!p1 $0x18980;
	s7 =	sadd.s32 @!p1 $0x0, s22;
	[sflag:s29] =	ssyncadd.s32 $0xFFFFFFB0  }
0x5e: {  	[tilespmem:s31], [sflag:$0x1] =	stream.indirect.gather [hbm4b:s1+s30], $0x80, s9, s30, $0xb8;
	[tilespmem:$0x1DA80] =	vst v63  }
0x5f: {  	s7 =	sadd.s32 @!p1 $0x140, s7;
	s8 =	sadd.s32 @!p1 $0x0, s23;
	s9 =	simm.s32 @!p1 $0x0  }
0x60: {  	[tilespmem:s10], [sflag:$0x7] =	stream.linear.gather @!p1 [hbm4b:s7+s9], $0x50, $0x38;
	[tilespmem:$0x1DA80] =	vst v63  }
0x61: {  	s8 =	sadd.s32 @!p1 $0x140, s8;
	s7 =	simm.s32 @!p1 $0x18A00;
	p1 =	por p1, p1  }
0x62: {  	[tilespmem:s7], [sflag:$0x8] =	stream.linear.gather @!p1 [hbm4b:s8+s9], $0x50, $0x38;
	[tilespmem:$0x1DA80] =	vst v63  }
0x63: {  	s11 =	simm.s32 @!p1 $0x7;
	s8 =	simm.s32 @!p1 $0x18A80  }
0x64: {  	[tilespmem:s8], [sflag:$0x4] =	stream.linear.gather @!p1 [hbm4b:s21+s9], $0x2800, $0x38;
	[tilespmem:$0x1DA80] =	vst v63  }
0x65: {  	_ =	swait.ge @!p1 [sflag:s11], $0x50  }
0x66: {  	[sflag:s11] =	ssyncset.done @!p1 $0x0  }
0x67: {  	s12 =	simm.s32 @!p1 $0x1B280;
	s9 =	simm.s32 @!p1 $0x50;
	[sflag:s11] =	ssyncadd.s32 @!p1 $0xFFFFFFB0  }
0x68: {  	[tilespmem:s12], [sflag:$0x3] =	stream.indirect.gather @!p1 [hbm4b:s1+s9], $0x80, s10, s9, $0xb8;
	[tilespmem:$0x1DA80] =	vst v63  }
0x69: {  	_ =	swait.ge [sflag:s0], $0x50  }
0x6a: {  	[sflag:s0] =	ssyncset.done $0x0  }
0x6b: {  	[sflag:s0] =	ssyncadd.s32 $0xFFFFFFB0  }
0x6c: {  	_ =	swait.ge [sflag:s3], $0x2800  }
0x6d: {  	[sflag:s3] =	ssyncset.done $0x0  }
0x6e: {  	[sflag:s3] =	ssyncadd.s32 $0xFFFFD800  }
0x6f: {  	_ =	swait.ge [sflag:s6], $0x2800  }
0x70: {  	[sflag:s6] =	ssyncset.done $0x0  }
0x71: {  	[sflag:s6] =	ssyncadd.s32 $0xFFFFD800  }
0x72: {  	[spmem:s2] =	stream.indirect.scatter.add.f32 [tilespmem:s24], [sflag:$0x2], $0x80, s28, s30, $0xb8;
	[tilespmem:$0x1DA80] =	vst v63  }
0x73: {  	_ = 	snop  }
0x74: {  	[spmem:s2] =	stream.indirect.scatter.add.f32 [tilespmem:s31], [sflag:$0x9], $0x80, s28, s30, $0xb8;
	[tilespmem:$0x1DA80] =	vst v63  }
0x75: {  	_ =	swait.ge [sflag:s25], $0x2800  }
0x76: {  	[sflag:s25] =	ssyncset.done $0x0  }
0x77: {  	p2 =	por $0x0, $0x0;
	[sflag:s25] =	ssyncadd.s32 $0xFFFFD800  }
0x78: {  	s13 =	simm.s32 @!p2 $0x13880;
	_ =	swait.ge [sflag:s3], $0x2800  }
0x79: {  	s15 =	sadd.s32 @!p2 $0x0, s23;
	s10 =	sadd.s32 @!p2 $0x0, s22;
	[sflag:s3] =	ssyncset.done $0x0  }
0x7a: {  	s11 =	simm.s32 @!p2 $0x0;
	s10 =	sadd.s32 @!p2 $0x280, s10;
	[sflag:s3] =	ssyncadd.s32 $0xFFFFD800  }
0x7b: {  	[tilespmem:s13], [sflag:$0x5] =	stream.linear.gather @!p2 [hbm4b:s10+s11], $0x50, $0x38;
	[tilespmem:$0x1DA80] =	vst v63  }
0x7c: {  	s15 =	sadd.s32 @!p2 $0x280, s15;
	s10 =	simm.s32 @!p2 $0x13900  }
0x7d: {  	[tilespmem:s10], [sflag:$0x6] =	stream.linear.gather @!p2 [hbm4b:s15+s11], $0x50, $0x38;
	[tilespmem:$0x1DA80] =	vst v63  }
0x7e: {  	s10 =	sadd.s32 @!p2 $0xA000, s21;
	s15 =	simm.s32 @!p2 $0x13980  }
0x7f: {  	[tilespmem:s15], [sflag:$0x2] =	stream.linear.gather @!p2 [hbm4b:s10+s11], $0x2800, $0x38;
	[tilespmem:$0x1DA80] =	vst v63  }
0x80: {  	s10 =	simm.s32 @!p2 $0x5  }
0x81: {  	_ =	swait.ge @!p2 [sflag:s10], $0x50  }
0x82: {  	[sflag:s10] =	ssyncset.done @!p2 $0x0  }
0x83: {  	s11 =	simm.s32 @!p2 $0x16180;
	[sflag:s10] =	ssyncadd.s32 @!p2 $0xFFFFFFB0;
	s10 =	simm.s32 @!p2 $0x50  }
0x84: {  	[tilespmem:s11], [sflag:$0x1] =	stream.indirect.gather @!p2 [hbm4b:s1+s10], $0x80, s13, s10, $0xb8;
	[tilespmem:$0x1DA80] =	vst v63  }
0x85: {  	s10 =	simm.s32 @!p1 $0x8  }
0x86: {  	_ =	swait.ge @!p1 [sflag:s10], $0x50  }
0x87: {  	[sflag:s10] =	ssyncset.done @!p1 $0x0  }
0x88: {  	s17 =	simm.s32 @!p1 $0x4;
	[sflag:s10] =	ssyncadd.s32 @!p1 $0xFFFFFFB0  }
0x89: {  	_ =	swait.ge @!p1 [sflag:s17], $0x2800  }
0x8a: {  	[sflag:s17] =	ssyncset.done @!p1 $0x0  }
0x8b: {  	s10 =	simm.s32 @!p1 $0x3;
	[sflag:s17] =	ssyncadd.s32 @!p1 $0xFFFFD800  }
0x8c: {  	_ =	swait.ge @!p1 [sflag:s10], $0x2800  }
0x8d: {  	[sflag:s10] =	ssyncset.done @!p1 $0x0  }
0x8e: {  	[sflag:s10] =	ssyncadd.s32 @!p1 $0xFFFFD800  }
0x8f: {  	[spmem:s2] =	stream.indirect.scatter.add.f32 @!p1 [tilespmem:s8], [sflag:$0x4], $0x80, s7, s9, $0xb8;
	[tilespmem:$0x1DA80] =	vst v63  }
0x90: {  	s10 =	simm.s32 @!p1 $0x9  }
0x91: {  	[spmem:s2] =	stream.indirect.scatter.add.f32 @!p1 [tilespmem:s12], [sflag:$0x9], $0x80, s7, s9, $0xb8;
	[tilespmem:$0x1DA80] =	vst v63  }
0x92: {  	_ =	swait.ge @!p1 [sflag:s10], $0x2800  }
0x93: {  	s8 =	simm.s32 $0x280;
	[sflag:s10] =	ssyncset.done @!p1 $0x0  }
0x94: {  	s9 =	simm.s32 $0x500;
	[sflag:s10] =	ssyncadd.s32 @!p1 $0xFFFFD800;
	s10 =	sadd.s32 $0x40, s20  }
0x95: {  	s7 =	sadd.s32 $0x14000, s21;
	p3 =	sgt.u32 s10, $0xF9F;
	_ =	swait.ge @!p1 [sflag:s17], $0x2800  }
.LBB2_4:
0x96: {  	s11 =	sadd.s32 @!p3 s8, s22  }
0x97: {  	s12 =	sadd.s32 @!p3 s8, s23;
	[sflag:s17] =	ssyncset.done @!p1 $0x0;
	s16 =	smov.u32 s9  }
0x98: {  	s13 =	simm.s32 @!p3 $0x0;
	s18 =	simm.s32 @!p3 $0x18980;
	s11 =	sadd.s32 @!p3 $0x140, s11  }
0x99: {  	s9 =	sadd.s32 $0x280, s9;
	s12 =	sadd.s32 @!p3 $0x140, s12;
	[sflag:s17] =	ssyncadd.s32 @!p1 $0xFFFFD800  }
0x9a: {  	[tilespmem:s18], [sflag:$0x7] =	stream.linear.gather @!p3 [hbm4b:s11+s13], $0x50, $0x38;
	[tilespmem:$0x1DA80] =	vst v63  }
0x9b: {  	p2 =	sne.s32 s9, $0x9D80;
	p1 =	por p3, p3;
	s11 =	simm.s32 @!p3 $0x18A00  }
0x9c: {  	[tilespmem:s11], [sflag:$0x8] =	stream.linear.gather @!p1 [hbm4b:s12+s13], $0x50, $0x38;
	[tilespmem:$0x1DA80] =	vst v63  }
0x9d: {  	s17 =	simm.s32 @!p1 $0x7;
	s12 =	simm.s32 @!p1 $0x18A80  }
0x9e: {  	[tilespmem:s12], [sflag:$0x4] =	stream.linear.gather @!p1 [hbm4b:s7+s13], $0x2800, $0x38;
	[tilespmem:$0x1DA80] =	vst v63  }
0x9f: {  	_ =	swait.ge @!p1 [sflag:s17], $0x50  }
0xa0: {  	s15 =	simm.s32 @!p1 $0x1B280;
	s13 =	simm.s32 @!p1 $0x50;
	[sflag:s17] =	ssyncset.done @!p1 $0x0  }
0xa1: {  	[sflag:s17] =	ssyncadd.s32 @!p1 $0xFFFFFFB0  }
0xa2: {  	[tilespmem:s15], [sflag:$0x3] =	stream.indirect.gather @!p1 [hbm4b:s1+s13], $0x80, s18, s13, $0xb8;
	[tilespmem:$0x1DA80] =	vst v63  }
0xa3: {  	_ =	swait.ge [sflag:s0], $0x50  }
0xa4: {  	[sflag:s0] =	ssyncset.done $0x0  }
0xa5: {  	[sflag:s0] =	ssyncadd.s32 $0xFFFFFFB0  }
0xa6: {  	_ =	swait.ge [sflag:s3], $0x2800  }
0xa7: {  	[sflag:s3] =	ssyncset.done $0x0  }
0xa8: {  	[sflag:s3] =	ssyncadd.s32 $0xFFFFD800  }
0xa9: {  	_ =	swait.ge [sflag:s6], $0x2800  }
0xaa: {  	[sflag:s6] =	ssyncset.done $0x0  }
0xab: {  	[sflag:s6] =	ssyncadd.s32 $0xFFFFD800  }
0xac: {  	[spmem:s2] =	stream.indirect.scatter.add.f32 [tilespmem:s24], [sflag:$0x2], $0x80, s28, s30, $0xb8;
	[tilespmem:$0x1DA80] =	vst v63  }
0xad: {  	_ = 	snop  }
0xae: {  	[spmem:s2] =	stream.indirect.scatter.add.f32 [tilespmem:s31], [sflag:$0x9], $0x80, s28, s30, $0xb8;
	[tilespmem:$0x1DA80] =	vst v63  }
0xaf: {  	_ =	swait.ge [sflag:s25], $0x2800  }
0xb0: {  	[sflag:s25] =	ssyncset.done $0x0  }
0xb1: {  	p3 =	seq.s32 s8, $0x9B00;
	[sflag:s25] =	ssyncadd.s32 $0xFFFFD800  }
0xb2: {  	s17 =	sadd.s32 @!p3 s8, s22;
	s18 =	simm.s32 @!p3 $0x0;
	_ =	swait.ge [sflag:s3], $0x2800  }
0xb3: {  	s19 =	simm.s32 @!p3 $0x13880;
	s17 =	sadd.s32 @!p3 $0x280, s17;
	[sflag:s3] =	ssyncset.done $0x0  }
0xb4: {  	s26 =	simm.s32 @!p3 $0x13900;
	s8 =	sadd.s32 @!p3 s8, s23;
	[sflag:s3] =	ssyncadd.s32 $0xFFFFD800  }
0xb5: {  	[tilespmem:s19], [sflag:$0x5] =	stream.linear.gather @!p3 [hbm4b:s17+s18], $0x50, $0x38;
	[tilespmem:$0x1DA80] =	vst v63  }
0xb6: {  	s29 =	simm.s32 @!p3 $0x13980;
	s8 =	sadd.s32 @!p3 $0x280, s8;
	s17 =	sadd.s32 @!p3 $0xA000, s7  }
0xb7: {  	[tilespmem:s26], [sflag:$0x6] =	stream.linear.gather @!p3 [hbm4b:s8+s18], $0x50, $0x38;
	[tilespmem:$0x1DA80] =	vst v63  }
0xb8: {  	s26 =	simm.s32 @!p3 $0x5;
	s8 =	smov.u32 s16  }
0xb9: {  	[tilespmem:s29], [sflag:$0x2] =	stream.linear.gather @!p3 [hbm4b:s17+s18], $0x2800, $0x38;
	[tilespmem:$0x1DA80] =	vst v63  }
0xba: {  	s16 =	simm.s32 @!p3 $0x16180;
	_ =	swait.ge @!p3 [sflag:s26], $0x50  }
0xbb: {  	s17 =	simm.s32 @!p3 $0x50;
	s18 =	simm.s32 @!p1 $0x8;
	[sflag:s26] =	ssyncset.done @!p3 $0x0  }
0xbc: {  	[sflag:s26] =	ssyncadd.s32 @!p3 $0xFFFFFFB0  }
0xbd: {  	[tilespmem:s16], [sflag:$0x1] =	stream.indirect.gather @!p3 [hbm4b:s1+s17], $0x80, s19, s17, $0xb8;
	[tilespmem:$0x1DA80] =	vst v63  }
0xbe: {  	_ =	swait.ge @!p1 [sflag:s18], $0x50  }
0xbf: {  	s17 =	simm.s32 @!p1 $0x4;
	[sflag:s18] =	ssyncset.done @!p1 $0x0  }
0xc0: {  	[sflag:s18] =	ssyncadd.s32 @!p1 $0xFFFFFFB0  }
0xc1: {  	_ =	swait.ge @!p1 [sflag:s17], $0x2800  }
0xc2: {  	s16 =	simm.s32 @!p1 $0x3;
	[sflag:s17] =	ssyncset.done @!p1 $0x0  }
0xc3: {  	[sflag:s17] =	ssyncadd.s32 @!p1 $0xFFFFD800  }
0xc4: {  	_ =	swait.ge @!p1 [sflag:s16], $0x2800  }
0xc5: {  	[sflag:s16] =	ssyncset.done @!p1 $0x0  }
0xc6: {  	[sflag:s16] =	ssyncadd.s32 @!p1 $0xFFFFD800  }
0xc7: {  	[spmem:s2] =	stream.indirect.scatter.add.f32 @!p1 [tilespmem:s12], [sflag:$0x4], $0x80, s11, s13, $0xb8;
	[tilespmem:$0x1DA80] =	vst v63  }
0xc8: {  	s12 =	simm.s32 @!p1 $0x9  }
0xc9: {  	[spmem:s2] =	stream.indirect.scatter.add.f32 @!p1 [tilespmem:s15], [sflag:$0x9], $0x80, s11, s13, $0xb8;
	[tilespmem:$0x1DA80] =	vst v63  }
.Ltmp1:
0xca: {  	_ = 	snop;
	(pc) =	sbr.rel @p2 .LBB2_4-.Ltmp1, $4  }
0xcb: {  	_ =	swait.ge @!p1 [sflag:s12], $0x2800  }
0xcc: {  	[sflag:s12] =	ssyncset.done @!p1 $0x0  }
0xcd: {  	s10 =	sadd.s32 $0x40, s10;
	[sflag:s12] =	ssyncadd.s32 @!p1 $0xFFFFD800  }
0xce: {  	s7 =	sadd.s32 $0x14000, s7;
	p3 =	sgt.u32 s10, $0xF9F;
	_ =	swait.ge @!p1 [sflag:s17], $0x2800  }
0xcf: {  	s9 =	sadd.s32 @!p3 s8, s22  }
0xd0: {  	s10 =	sadd.s32 @!p3 s8, s23;
	[sflag:s17] =	ssyncset.done @!p1 $0x0;
	s11 =	simm.s32 @!p3 $0x0  }
0xd1: {  	s12 =	simm.s32 @!p3 $0x18980;
	s9 =	sadd.s32 @!p3 $0x140, s9;
	[sflag:s17] =	ssyncadd.s32 @!p1 $0xFFFFD800  }
0xd2: {  	[tilespmem:s12], [sflag:$0x7] =	stream.linear.gather @!p3 [hbm4b:s9+s11], $0x50, $0x38;
	[tilespmem:$0x1DA80] =	vst v63  }
0xd3: {  	p1 =	por p3, p3;
	s9 =	sadd.s32 @!p3 $0x140, s10;
	s10 =	simm.s32 @!p3 $0x18A00  }
0xd4: {  	[tilespmem:s10], [sflag:$0x8] =	stream.linear.gather @!p1 [hbm4b:s9+s11], $0x50, $0x38;
	[tilespmem:$0x1DA80] =	vst v63  }
0xd5: {  	s13 =	simm.s32 @!p1 $0x7;
	s9 =	simm.s32 @!p1 $0x18A80  }
0xd6: {  	[tilespmem:s9], [sflag:$0x4] =	stream.linear.gather @!p1 [hbm4b:s7+s11], $0x2800, $0x38;
	[tilespmem:$0x1DA80] =	vst v63  }
0xd7: {  	_ =	swait.ge @!p1 [sflag:s13], $0x50  }
0xd8: {  	[sflag:s13] =	ssyncset.done @!p1 $0x0  }
0xd9: {  	s15 =	simm.s32 @!p1 $0x1B280;
	s11 =	simm.s32 @!p1 $0x50;
	[sflag:s13] =	ssyncadd.s32 @!p1 $0xFFFFFFB0  }
0xda: {  	[tilespmem:s15], [sflag:$0x3] =	stream.indirect.gather @!p1 [hbm4b:s1+s11], $0x80, s12, s11, $0xb8;
	[tilespmem:$0x1DA80] =	vst v63  }
0xdb: {  	_ =	swait.ge [sflag:s0], $0x50  }
0xdc: {  	[sflag:s0] =	ssyncset.done $0x0  }
0xdd: {  	[sflag:s0] =	ssyncadd.s32 $0xFFFFFFB0  }
0xde: {  	_ =	swait.ge [sflag:s3], $0x2800  }
0xdf: {  	[sflag:s3] =	ssyncset.done $0x0  }
0xe0: {  	[sflag:s3] =	ssyncadd.s32 $0xFFFFD800  }
0xe1: {  	_ =	swait.ge [sflag:s6], $0x2800  }
0xe2: {  	[sflag:s6] =	ssyncset.done $0x0  }
0xe3: {  	[sflag:s6] =	ssyncadd.s32 $0xFFFFD800  }
0xe4: {  	[spmem:s2] =	stream.indirect.scatter.add.f32 [tilespmem:s24], [sflag:$0x2], $0x80, s28, s30, $0xb8;
	[tilespmem:$0x1DA80] =	vst v63  }
0xe5: {  	_ = 	snop  }
0xe6: {  	[spmem:s2] =	stream.indirect.scatter.add.f32 [tilespmem:s31], [sflag:$0x9], $0x80, s28, s30, $0xb8;
	[tilespmem:$0x1DA80] =	vst v63  }
0xe7: {  	_ =	swait.ge [sflag:s25], $0x2800  }
0xe8: {  	[sflag:s25] =	ssyncset.done $0x0  }
0xe9: {  	p2 =	seq.s32 s8, $0x9B00;
	[sflag:s25] =	ssyncadd.s32 $0xFFFFD800  }
0xea: {  	s16 =	simm.s32 @!p2 $0x13880;
	_ =	swait.ge [sflag:s3], $0x2800  }
0xeb: {  	s13 =	simm.s32 @!p2 $0x0;
	s12 =	sadd.s32 @!p2 s8, s22;
	[sflag:s3] =	ssyncset.done $0x0  }
0xec: {  	s8 =	sadd.s32 @!p2 s8, s23;
	s12 =	sadd.s32 @!p2 $0x280, s12;
	[sflag:s3] =	ssyncadd.s32 $0xFFFFD800  }
0xed: {  	[tilespmem:s16], [sflag:$0x5] =	stream.linear.gather @!p2 [hbm4b:s12+s13], $0x50, $0x38;
	[tilespmem:$0x1DA80] =	vst v63  }
0xee: {  	s8 =	sadd.s32 @!p2 $0x280, s8;
	s12 =	simm.s32 @!p2 $0x13900  }
0xef: {  	[tilespmem:s12], [sflag:$0x6] =	stream.linear.gather @!p2 [hbm4b:s8+s13], $0x50, $0x38;
	[tilespmem:$0x1DA80] =	vst v63  }
0xf0: {  	s7 =	sadd.s32 @!p2 $0xA000, s7;
	s8 =	simm.s32 @!p2 $0x13980  }
0xf1: {  	[tilespmem:s8], [sflag:$0x2] =	stream.linear.gather @!p2 [hbm4b:s7+s13], $0x2800, $0x38;
	[tilespmem:$0x1DA80] =	vst v63  }
0xf2: {  	s7 =	simm.s32 @!p2 $0x5  }
0xf3: {  	_ =	swait.ge @!p2 [sflag:s7], $0x50  }
0xf4: {  	[sflag:s7] =	ssyncset.done @!p2 $0x0  }
0xf5: {  	s8 =	simm.s32 @!p2 $0x16180;
	[sflag:s7] =	ssyncadd.s32 @!p2 $0xFFFFFFB0;
	s7 =	simm.s32 @!p2 $0x50  }
0xf6: {  	[tilespmem:s8], [sflag:$0x1] =	stream.indirect.gather @!p2 [hbm4b:s1+s7], $0x80, s16, s7, $0xb8;
	[tilespmem:$0x1DA80] =	vst v63  }
0xf7: {  	s7 =	simm.s32 @!p1 $0x8  }
0xf8: {  	_ =	swait.ge @!p1 [sflag:s7], $0x50  }
0xf9: {  	[sflag:s7] =	ssyncset.done @!p1 $0x0  }
0xfa: {  	s8 =	simm.s32 @!p1 $0x4;
	[sflag:s7] =	ssyncadd.s32 @!p1 $0xFFFFFFB0  }
0xfb: {  	_ =	swait.ge @!p1 [sflag:s8], $0x2800  }
0xfc: {  	[sflag:s8] =	ssyncset.done @!p1 $0x0  }
0xfd: {  	s7 =	simm.s32 @!p1 $0x3;
	[sflag:s8] =	ssyncadd.s32 @!p1 $0xFFFFD800  }
0xfe: {  	_ =	swait.ge @!p1 [sflag:s7], $0x2800  }
0xff: {  	[sflag:s7] =	ssyncset.done @!p1 $0x0  }
0x100: {  	[sflag:s7] =	ssyncadd.s32 @!p1 $0xFFFFD800  }
0x101: {  	[spmem:s2] =	stream.indirect.scatter.add.f32 @!p1 [tilespmem:s9], [sflag:$0x4], $0x80, s10, s11, $0xb8;
	[tilespmem:$0x1DA80] =	vst v63  }
0x102: {  	s7 =	simm.s32 @!p1 $0x9  }
0x103: {  	[spmem:s2] =	stream.indirect.scatter.add.f32 @!p1 [tilespmem:s15], [sflag:$0x9], $0x80, s10, s11, $0xb8;
	[tilespmem:$0x1DA80] =	vst v63  }
0x104: {  	_ =	swait.ge @!p1 [sflag:s7], $0x2800  }
0x105: {  	[sflag:s7] =	ssyncset.done @!p1 $0x0  }
0x106: {  	[sflag:s7] =	ssyncadd.s32 @!p1 $0xFFFFD800  }
0x107: {  	_ =	swait.ge @!p1 [sflag:s8], $0x2800  }
0x108: {  	[sflag:s8] =	ssyncset.done @!p1 $0x0  }
0x109: {  	s18 =	stileid.u32;
	[sflag:s8] =	ssyncadd.s32 @!p1 $0xFFFFD800  }
0x10a: {  	s7 =	sshll.u32 s18, $0x6;
	[bflag:$0x0] =	sbarrier.arrive $0xFFFF  }
0x10b: {  	s19 =	sshrl.u32 s5, $0x3;
	s7 =	sor.u32 $0x1C09, s7;
	s26 =	rddreg [dreg:$0xd]  }
0x10c: {  	[hbm:s26], [sflag:s7] =	dma.local [spmem:s19], $0x2700  }
0x10d: {  	_ =	swait.ge [sflag:s25], $0x2700  }
0x10e: {  	[sflag:s25] =	ssyncset.done $0x0  }
0x10f: {  	s8 =	sshrl.u32 @!p0 s14, $0x3;
	s9 =	rddreg [dreg:$0x11];
	[sflag:s25] =	ssyncadd.s32 $0xFFFFD900  }
0x110: {  	[hbm:s9], [sflag:s7] =	dma.local @!p0 [spmem:s8], $0x100  }
0x111: {  	s7 =	simm.s32 @!p0 $0x9  }
0x112: {  	_ =	swait.ge @!p0 [sflag:s7], $0x100  }
0x113: {  	s4 =	sadd.s32 $0x1, s4;
	s29 =	rddreg [dreg:$0x12]  }
0x114: {  	p1 =	sne.s32 s4, s29  }
.Ltmp2:
0x115: {  	_ = 	snop;
	(pc) =	sbr.rel @p1 .LBB2_1-.Ltmp2, $3  }
0x116: {  	_ =	sdelay $0x1  }
0x117: {  	[sflag:s7] =	ssyncset.done @!p0 $0x0  }
0x118: {  	[sflag:s7] =	ssyncadd.s32 @!p0 $0xFFFFFF00  }
0x119: {  	_ =	sfence.sel $0x180000  }
0x11a: {  	[bflag:$0x0] =	sbarrier.arrive $0xFFFF  }
0x11b: {  	_ =	strace $0x90000047  }
0x11c: {  	s0 =	stileid.u32;
	[bflag:$0x2] =	sbarrier.arrive $0xFFFF  }
0x11d: {  	p0 =	sne.s32 s0, $0x0;
	s0 =	rddreg [dreg:$0x5]  }
0x11e: {  	s0 =	sadd.s32 @!p0 $0x100000, s0  }
0x11f: {  	[sflag:s0] =	ssyncadd.tile.s32 @!p0 $0x1;
	_ =	shalt  }
.Lfunc_end2:
_tile_overlayer_lowered:
.L_overlay_start_2:
0x120: {  	(tag) =	ssettag $0x2  }
0x121: {  	s0 =	rddreg [dreg:$0x0];
	s2 =	stileid.u32  }
0x122: {  	s1 =	rddreg [dreg:$0x1];
	p0 =	sne.s32 s2, $0x0  }
0x123: {  	s3 =	rddreg [dreg:$0x2];
	[bflag:$0x3] =	sbarrier.arrive $0xFFFF;
	s2 =	simm.s32 @!p0 $0x1C09  }
0x124: {  	[timem:s3], [sflag:s2] =	dma.local @!p0 [hbm:s0], s1  }
0x125: {  	s0 =	simm.s32 @!p0 $0x9  }
0x126: {  	_ =	swait.ge @!p0 [sflag:s0], s1  }
0x127: {  	s1 =	ssub.s32 @!p0 $0x0, s1;
	[sflag:s0] =	ssyncset.done @!p0 $0x0  }
0x128: {  	[sflag:s0] =	ssyncadd.s32 @!p0 s1  }
0x129: {  	[bflag:$0x3] =	sbarrier.arrive $0xFFFF  }
0x12a: {  	_ =	shalt  }

</sc_bundles>
